<compile_context>
chip_gen: v7x
topology: tpu7x:2x2x1
jax: 0.10.2.dev20260603
libtpu: 0.0.44.dev20260713+nightly
codegen_flags: <defaults>
</compile_context>

<pallas_src>
import functools

import jax
import jax.numpy as jnp
from jax import lax
from jax.experimental import pallas as pl
from jax.experimental.pallas import tpu as pltpu
from jax.experimental.pallas import tpu_sc as plsc

N_NODES = 10000
N_EDGES = 160000
G = 256
X_IN = 128
E_DIM = 16
HID = 512
NP1 = 10
FPW = 5120
FP_IN = 2513

NPAD = 10240
NBLK = 256
NBLOCKS = NPAD // NBLK
EPAD = 163840
ECHUNK = 128
ECHUNKE = 64
FP1_OUT = 6784
FP1_REAL = 6656



def _edge_agg(x_pad, ea_pad, src_pad, dst_pad):
    info = plsc.get_sparse_core_info()
    NC, NS = info.num_cores, info.num_subcores
    epw = EPAD // NS
    nchunks = epw // ECHUNK
    rows_per_tile = NPAD // NS
    mesh = plsc.VectorSubcoreMesh(core_axis_name="c", subcore_axis_name="s")

    @functools.partial(
        pl.kernel, mesh=mesh,
        out_type=jax.ShapeDtypeStruct((NC, NPAD, X_IN), jnp.float32),
        scratch_types=[
            pltpu.VMEM((2, ECHUNK), jnp.int32),
            pltpu.VMEM((2, ECHUNK), jnp.int32),
            pltpu.VMEM((2, ECHUNK, X_IN), jnp.float32),
            pltpu.VMEM((ECHUNKE, E_DIM), jnp.float32),
            pltpu.VMEM((ECHUNKE,), jnp.int32),
            pltpu.VMEM((32, X_IN), jnp.float32),
            pltpu.VMEM_SHARED((NPAD, X_IN), jnp.float32),
            pltpu.SemaphoreType.DMA,
            pltpu.SemaphoreType.DMA,
        ],
    )
    def k(x_hbm, ea_hbm, src_hbm, dst_hbm, out,
          sidx, didx, rows, erows, didxe, rbx, acc, sema, semb):
        cid = lax.axis_index("c")
        sid = lax.axis_index("s")
        sems = (sema, semb)

        zvec = jnp.zeros((16,), jnp.float32)

        def zrow(i, _):
            for j in range(X_IN // 16):
                rbx[i, pl.ds(j * 16, 16)] = zvec
            return 0
        lax.fori_loop(0, 32, zrow, 0)

        tile_base = sid * rows_per_tile

        def zcopy(t, _):
            pltpu.sync_copy(rbx, acc.at[pl.ds(tile_base + t * 32, 32)])
            return 0
        lax.fori_loop(0, rows_per_tile // 32, zcopy, 0)
        plsc.subcore_barrier()

        ebase = sid * epw

        @pl.when(cid == 0)
        def _xpath():
            pltpu.sync_copy(src_hbm.at[pl.ds(ebase, ECHUNK)], sidx.at[0])
            pltpu.sync_copy(dst_hbm.at[pl.ds(ebase, ECHUNK)], didx.at[0])
            pltpu.async_copy(x_hbm.at[sidx.at[0]], rows.at[0], sema)

            def body2(i2, _):
                for b in range(2):
                    g = i2 * 2 + b
                    nb = 1 - b

                    @pl.when(g + 1 < nchunks)
                    def _prefetch():
                        noff = ebase + (g + 1) * ECHUNK
                        pltpu.sync_copy(src_hbm.at[pl.ds(noff, ECHUNK)],
                                        sidx.at[nb])
                        pltpu.sync_copy(dst_hbm.at[pl.ds(noff, ECHUNK)],
                                        didx.at[nb])
                        pltpu.async_copy(x_hbm.at[sidx.at[nb]], rows.at[nb],
                                         sems[nb])
                    pltpu.make_async_copy(x_hbm.at[sidx.at[b]], rows.at[b],
                                          sems[b]).wait()
                    pltpu.sync_copy(rows.at[b], acc.at[didx.at[b]], add=True)
                return 0
            lax.fori_loop(0, nchunks // 2, body2, 0)

        @pl.when(cid == 1)
        def _epath():
            def zr(i, _):
                for j in range(X_IN // 16):
                    rows[0, i, pl.ds(j * 16, 16)] = zvec
                return 0
            lax.fori_loop(0, ECHUNKE, zr, 0)

            def chunk(g, _):
                off = ebase + g * ECHUNKE
                pltpu.sync_copy(dst_hbm.at[pl.ds(off, ECHUNKE)], didxe)
                pltpu.sync_copy(ea_hbm.at[pl.ds(off, ECHUNKE)], erows)

                def cp(r, _):
                    rows[0, r, pl.ds(0, 16)] = erows[r, :]
                    return 0
                lax.fori_loop(0, ECHUNKE, cp, 0)
                pltpu.sync_copy(rows.at[0, pl.ds(0, ECHUNKE)],
                                acc.at[didxe], add=True)
                return 0
            lax.fori_loop(0, epw // ECHUNKE, chunk, 0)

        plsc.subcore_barrier()

        def rb(t, _):
            r0 = tile_base + t * 32
            pltpu.sync_copy(acc.at[pl.ds(r0, 32)], rbx)
            pltpu.sync_copy(rbx, out.at[cid, pl.ds(r0, 32)])
            return 0
        lax.fori_loop(0, rows_per_tile // 32, rb, 0)

    return k(x_pad, ea_pad, src_pad, dst_pad)



def _dense_segmax_body(x_ref, xa_ref, ea_ref, bf_ref,
                       wn_ref, ws_ref, we_ref, b_ref, feats_ref, gp_ref):
    i = pl.program_id(0)

    @pl.when(i == 0)
    def _init():
        feats_ref[...] = jnp.full((G, FPW), -jnp.inf, jnp.float32)
        gp_ref[...] = jnp.full((G, X_IN), -jnp.inf, jnp.float32)

    xb = x_ref[...]
    xagg = xa_ref[...]
    eagg = ea_ref[...][:, 0:E_DIM]
    pre = (jnp.dot(xagg, wn_ref[...], preferred_element_type=jnp.float32)
           + jnp.dot(xb, ws_ref[...], preferred_element_type=jnp.float32)
           + jnp.dot(eagg, we_ref[...], preferred_element_type=jnp.float32)
           + b_ref[...])
    h = jnp.maximum(pre, 0.0)
    bcol = bf_ref[:, 0:1]
    valid = bcol < 256.0
    h = jnp.where(valid, h, -jnp.inf)
    xm = jnp.where(valid, xb, -jnp.inf)

    gmin = bf_ref[0, 0]
    gmax = jnp.minimum(bf_ref[NBLK - 1, 0], 255.0)
    n = (gmax - gmin).astype(jnp.int32) + 1

    def body(t, _):
        gf = gmin + t.astype(jnp.float32)
        gi = gf.astype(jnp.int32)
        m = bcol == gf
        hm = jnp.max(jnp.where(m, h, -jnp.inf), axis=0, keepdims=True)
        xmm = jnp.max(jnp.where(m, xm, -jnp.inf), axis=0, keepdims=True)
        feats_ref[pl.ds(gi, 1), :] = jnp.maximum(feats_ref[pl.ds(gi, 1), :], hm)
        gp_ref[pl.ds(gi, 1), :] = jnp.maximum(gp_ref[pl.ds(gi, 1), :], xmm)
        return 0
    lax.fori_loop(0, n, body, 0)


def _dense_segmax(x_pad, xa, ea, batchf, wn, ws, we, b):
    blk = lambda r, c: pl.BlockSpec((r, c), lambda i: (i, 0))
    whole = lambda r, c: pl.BlockSpec((r, c), lambda i: (0, 0))
    return pl.pallas_call(
        _dense_segmax_body,
        grid=(NBLOCKS,),
        in_specs=[blk(NBLK, X_IN), blk(NBLK, X_IN), blk(NBLK, X_IN),
                  blk(NBLK, X_IN),
                  whole(X_IN, FPW), whole(X_IN, FPW), whole(E_DIM, FPW),
                  whole(1, FPW)],
        out_specs=[whole(G, FPW), whole(G, X_IN)],
        out_shape=[jax.ShapeDtypeStruct((G, FPW), jnp.float32),
                   jax.ShapeDtypeStruct((G, X_IN), jnp.float32)],
    )(x_pad, xa, ea, batchf, wn, ws, we, b)



def _fp1a_body(fpx_ref, w0, w1, w2, w3, w4, o_ref):
    x = fpx_ref[...]
    offs = (0, 512, 1024, 1536, 2560)
    for off, wref in zip(offs, (w0, w1, w2, w3, w4)):
        wdt = wref.shape[1]
        o_ref[:, off:off + wdt] = jnp.dot(x, wref[...],
                                          preferred_element_type=jnp.float32)


def _fp1b_body(fpx_ref, w5, w6, wg2_ref, o_ref):
    x = fpx_ref[...]
    for off, wref in zip((0, 1536, 3072), (w5, w6, wg2_ref)):
        wdt = wref.shape[1]
        o_ref[:, off:off + wdt] = jnp.dot(x, wref[...],
                                          preferred_element_type=jnp.float32)


def _fp1(fp_x, firsts, wg2p):
    h1a = pl.pallas_call(
        _fp1a_body,
        out_shape=jax.ShapeDtypeStruct((G, 3584), jnp.float32),
    )(fp_x, *firsts[:5])
    h1b = pl.pallas_call(
        _fp1b_body,
        out_shape=jax.ShapeDtypeStruct((G, 3200), jnp.float32),
    )(fp_x, firsts[5], firsts[6], wg2p)
    return h1a, h1b



def _combine_body(h1a_ref, h1b_ref, feats_ref, gp_ref, wg1_ref, bg1_ref, bg2_ref,
                  e1w2_ref, e2w2_ref, e2w3_ref, e3w2_ref, e4w2_ref, e4w3_ref,
                  e5w2_ref, e6w2_ref, e6w3_ref,
                  watt_ref, wp1_ref, bp1_ref, gamma_ref, beta_ref, wp2_ref,
                  scal_ref, o_ref):
    f32 = jnp.float32
    dot = lambda a, b: jnp.dot(a, b, preferred_element_type=f32)
    relu = lambda v: jnp.maximum(v, 0.0)
    h1a = h1a_ref[...]
    h1b = h1b_ref[...]

    logits1 = dot(gp_ref[...], wg1_ref[...]) + bg1_ref[...]
    col = lax.broadcasted_iota(jnp.int32, (G, 128), 1)
    logits1 = jnp.where(col < NP1, logits1, -jnp.inf)
    w1 = jax.nn.softmax(logits1, axis=1)

    feats = feats_ref[...]
    out1 = jnp.zeros((G, HID), f32)
    for i in range(NP1):
        out1 = out1 + w1[:, i:i + 1] * feats[:, i * HID:(i + 1) * HID]
    n1 = jnp.maximum(jnp.sqrt(jnp.sum(out1 * out1, axis=1, keepdims=True)), 1e-12)
    out1 = out1 / n1

    logits2 = h1b[:, 3072:3200] + bg2_ref[...]
    logits2 = jnp.where(col < 7, logits2, -jnp.inf)
    w2 = jax.nn.softmax(logits2, axis=1)

    f0 = h1a[:, 0:512]
    f1 = dot(relu(h1a[:, 512:1024]), e1w2_ref[...])
    f2 = dot(relu(dot(relu(h1a[:, 1024:1536]), e2w2_ref[...])), e2w3_ref[...])
    f3 = dot(relu(h1a[:, 1536:2560]), e3w2_ref[...])
    f4 = dot(relu(dot(relu(h1a[:, 2560:3584]), e4w2_ref[...])), e4w3_ref[...])
    f5 = dot(relu(h1b[:, 0:1536]), e5w2_ref[...])
    f6 = dot(relu(dot(relu(h1b[:, 1536:3072]), e6w2_ref[...])), e6w3_ref[...])
    fs = (f0, f1, f2, f3, f4, f5, f6)
    out2 = jnp.zeros((G, HID), f32)
    for i in range(7):
        out2 = out2 + w2[:, i:i + 1] * fs[i]
    n2 = jnp.maximum(jnp.sqrt(jnp.sum(out2 * out2, axis=1, keepdims=True)), 1e-12)
    out2 = out2 / n2

    watt = watt_ref[...]
    a = (jnp.sum(out1 * watt[:, 0:HID], axis=1, keepdims=True)
         + jnp.sum(out2 * watt[:, HID:2 * HID], axis=1, keepdims=True)
         + scal_ref[0, 0])
    alpha = 1.0 / (1.0 + jnp.exp(-a))
    mix = alpha * out1 + (1.0 - alpha) * out2

    hh = relu(dot(mix, wp1_ref[...]) + bp1_ref[...])
    mu = jnp.mean(hh, axis=0, keepdims=True)
    var = jnp.mean((hh - mu) * (hh - mu), axis=0, keepdims=True)
    hh = (hh - mu) / jnp.sqrt(var + 1e-5) * gamma_ref[...] + beta_ref[...]
    res = jnp.sum(hh * wp2_ref[...], axis=1, keepdims=True) + scal_ref[0, 1]
    o_ref[...] = jnp.broadcast_to(res, (G, 128))


def _combine(h1a, h1b, feats, gpool, wg1p, bg1p, bg2p, tails, wattT, wp1, bp1,
             gamma2, beta2, wp2T, scal):
    return pl.pallas_call(
        _combine_body,
        out_shape=jax.ShapeDtypeStruct((G, 128), jnp.float32),
    )(h1a, h1b, feats, gpool, wg1p, bg1p, bg2p, *tails, wattT, wp1, bp1,
      gamma2, beta2, wp2T, scal)



def kernel(x, edge_index, batch, y, edge_attr, w, pubchem, maccs, erg, ecfp,
           params):
    f32 = jnp.float32
    x_pad = jnp.zeros((NPAD, X_IN), f32).at[:N_NODES].set(x)
    batchf = jnp.full((NPAD,), 300.0, f32).at[:N_NODES].set(batch.astype(f32))
    batchf = jnp.broadcast_to(batchf[:, None], (NPAD, X_IN))

    src = edge_index[0].astype(jnp.int32)
    dst = edge_index[1].astype(jnp.int32)
    src_pad = jnp.full((EPAD,), NPAD - 1, jnp.int32).at[:N_EDGES].set(src)
    dst_pad = jnp.zeros((EPAD,), jnp.int32).at[:N_EDGES].set(dst)
    ea_pad = jnp.zeros((EPAD, E_DIM), f32).at[:N_EDGES].set(edge_attr)

    agg = _edge_agg(x_pad, ea_pad, src_pad, dst_pad)

    wn = params["Wn"].transpose(1, 0, 2).reshape(X_IN, FPW)
    ws = params["Wself"].transpose(1, 0, 2).reshape(X_IN, FPW)
    we = params["We"].transpose(1, 0, 2).reshape(E_DIM, FPW)
    b = params["bexp"].reshape(1, FPW)

    feats, gpool = _dense_segmax(x_pad, agg[0], agg[1], batchf, wn, ws, we, b)

    fp_x = jnp.concatenate([pubchem, maccs, erg, ecfp], axis=1)
    firsts = [layers[0] for layers in params["fp"]]
    wg2p = jnp.zeros((FP_IN, 128), f32).at[:, :7].set(params["Wg2"])
    h1a, h1b = _fp1(fp_x, firsts, wg2p)

    fp = params["fp"]
    tails = (fp[1][1], fp[2][1], fp[2][2], fp[3][1], fp[4][1], fp[4][2],
             fp[5][1], fp[6][1], fp[6][2])
    wg1p = jnp.zeros((X_IN, 128), f32).at[:, :NP1].set(params["Wg1"])
    bg1p = jnp.zeros((1, 128), f32).at[0, :NP1].set(params["bg1"])
    bg2p = jnp.zeros((1, 128), f32).at[0, :7].set(params["bg2"])
    wattT = params["Watt"].reshape(1, 2 * HID)
    scal = jnp.zeros((1, 128), f32)
    scal = scal.at[0, 0].set(params["batt"][0]).at[0, 1].set(params["bp2"][0])
    outc = _combine(h1a, h1b, feats, gpool, wg1p, bg1p, bg2p, tails, wattT,
                    params["Wp1"], params["bp1"].reshape(1, HID),
                    params["gamma"].reshape(1, HID),
                    params["beta"].reshape(1, HID),
                    params["Wp2"].reshape(1, HID), scal)
    out = outc[:, 0]

    mask = y != 999.0
    out_m = jnp.where(mask, out, 0.0)
    y_m = jnp.where(mask, y, 0.0)
    w_m = jnp.where(mask, w, 0.0)
    return (out, y, w, out_m, y_m, w_m)

# --- scband reference (transcript-rebuilt; emitter-appended) ---
"""Pipeline reference for scband-dpmo-e-79216376808043 (READ-ONLY COPY).

The authoritative reference and input builder live on the scoring server;
editing this copy changes nothing except your own understanding.
"""

import jax, jax.numpy as jnp
import numpy as np

N_NODES = 10000
N_EDGES = 160000
NUM_GRAPHS = 256
X_IN = 128
EDGE_DIM = 16
HID = 512
FP_IN = 2513
N_P1 = 10

FP_LAYER_DIMS = [
    [(FP_IN, HID)],
    [(FP_IN, HID), (HID, HID)],
    [(FP_IN, HID), (HID, HID), (HID, HID)],
    [(FP_IN, 2 * HID), (2 * HID, HID)],
    [(FP_IN, 2 * HID), (2 * HID, 2 * HID), (2 * HID, HID)],
    [(FP_IN, 3 * HID), (3 * HID, HID)],
    [(FP_IN, 3 * HID), (3 * HID, 3 * HID), (3 * HID, HID)],
]
N_P2 = len(FP_LAYER_DIMS)


def _w(key, shape):
    return jax.random.normal(key, shape, dtype=jnp.float32) * 0.02


def setup_inputs(seed: int = 0) -> dict:
    key = jax.random.key(seed)
    ks = iter(jax.random.split(key, 64))
    x = jax.random.normal(next(ks), (N_NODES, X_IN), dtype=jnp.float32)
    edge_index = jax.random.randint(next(ks), (2, N_EDGES), 0, N_NODES)
    batch = jnp.sort(jax.random.randint(next(ks), (N_NODES,), 0, NUM_GRAPHS))
    edge_attr = jax.random.normal(next(ks), (N_EDGES, EDGE_DIM), dtype=jnp.float32)
    y = jax.random.uniform(next(ks), (NUM_GRAPHS,), dtype=jnp.float32)
    w = jax.random.uniform(next(ks), (NUM_GRAPHS,), dtype=jnp.float32)
    pubchem = jax.random.uniform(next(ks), (NUM_GRAPHS, 881), dtype=jnp.float32)
    maccs = jax.random.uniform(next(ks), (NUM_GRAPHS, 167), dtype=jnp.float32)
    erg = jax.random.uniform(next(ks), (NUM_GRAPHS, 441), dtype=jnp.float32)
    ecfp = jax.random.uniform(next(ks), (NUM_GRAPHS, 1024), dtype=jnp.float32)
    params = {
        "Wg1": _w(next(ks), (X_IN, N_P1)), "bg1": jnp.zeros((N_P1,), jnp.float32),
        "Wg2": _w(next(ks), (FP_IN, N_P2)), "bg2": jnp.zeros((N_P2,), jnp.float32),
        "Wn": _w(next(ks), (N_P1, X_IN, HID)),
        "We": _w(next(ks), (N_P1, EDGE_DIM, HID)),
        "Wself": _w(next(ks), (N_P1, X_IN, HID)),
        "bexp": jnp.zeros((N_P1, HID), jnp.float32),
        "fp": [[_w(next(ks), d) for d in dims] for dims in FP_LAYER_DIMS],
        "Watt": _w(next(ks), (2 * HID, 1)), "batt": jnp.zeros((1,), jnp.float32),
        "Wp1": _w(next(ks), (HID, HID)), "bp1": jnp.zeros((HID,), jnp.float32),
        "gamma": jnp.ones((HID,), jnp.float32), "beta": jnp.zeros((HID,), jnp.float32),
        "Wp2": _w(next(ks), (HID, 1)), "bp2": jnp.zeros((1,), jnp.float32),
    }
    return {"x": x, "edge_index": edge_index, "batch": batch, "y": y,
            "edge_attr": edge_attr, "w": w, "pubchem": pubchem, "maccs": maccs,
            "erg": erg, "ecfp": ecfp, "params": params}


def _normalize(v):
    n = jnp.maximum(jnp.linalg.norm(v, axis=-1, keepdims=True), 1e-12)
    return v / n


def _forward(x, edge_index, batch, edge_attr, fp_x, params):
    src = edge_index[0]
    dst = edge_index[1]
    # gating 1: global max pool over nodes per graph
    gpool = jax.ops.segment_max(x, batch, num_segments=NUM_GRAPHS)
    logits1 = gpool @ params["Wg1"] + params["bg1"]
    w1 = jax.nn.softmax(logits1, axis=1)
    feats1 = []
    for i in range(N_P1):
        xw = x @ params["Wn"][i]
        msg = xw[src] + edge_attr @ params["We"][i]
        agg = jax.ops.segment_sum(msg, dst, num_segments=N_NODES)
        h = jax.nn.relu(agg + x @ params["Wself"][i] + params["bexp"][i])
        feats1.append(jax.ops.segment_max(h, batch, num_segments=NUM_GRAPHS))
    feats1 = jnp.stack(feats1, axis=1)  # [G, 10, HID]
    out1 = _normalize(jnp.sum(w1[:, :, None] * feats1, axis=1))
    # pathway 2: fingerprint MLP experts
    logits2 = fp_x @ params["Wg2"] + params["bg2"]
    w2 = jax.nn.softmax(logits2, axis=1)
    feats2 = []
    for layers in params["fp"]:
        h = fp_x
        for j, W in enumerate(layers):
            h = h @ W
            if j < len(layers) - 1:
                h = jax.nn.relu(h)
        feats2.append(h)
    feats2 = jnp.stack(feats2, axis=1)  # [G, 7, HID]
    out2 = _normalize(jnp.sum(w2[:, :, None] * feats2, axis=1))
    alpha = jax.nn.sigmoid(jnp.concatenate([out1, out2], axis=-1) @ params["Watt"] + params["batt"])
    out = alpha * out1 + (1.0 - alpha) * out2
    h = jax.nn.relu(out @ params["Wp1"] + params["bp1"])
    mu = jnp.mean(h, axis=0)
    var = jnp.var(h, axis=0)
    h = (h - mu) / jnp.sqrt(var + 1e-5) * params["gamma"] + params["beta"]
    out = (h @ params["Wp2"] + params["bp2"]).reshape(-1)
    return out


def reference(x, edge_index, batch, y, edge_attr, w, pubchem, maccs, erg, ecfp, params):
    fp_x = jnp.concatenate([pubchem, maccs, erg, ecfp], axis=1)
    out = _forward(x, edge_index, batch, edge_attr, fp_x, params)
    mask = y != 999.0
    out_m = jnp.where(mask, out, 0.0)
    y_m = jnp.where(mask, y, 0.0)
    w_m = jnp.where(mask, w, 0.0)
    return (out, y, w, out_m, y_m, w_m)

if __name__ == "__main__":
    import jax
    _d = setup_inputs()
    print(jax.jit(kernel)(*tuple(_d.values())))

</pallas_src>

<mosaic_0001>
#map = affine_map<(d0, d1) -> (0, 0)>
#map1 = affine_map<(d0, d1) -> (0)>
#map2 = affine_map<(d0, d1) -> (0, 0, 0)>
module attributes {stable_mosaic.version = 14 : i64} {
  func.func @k(%arg0: i32, %arg1: i32, %arg2: memref<10240x128xf32, #tpu.memory_space<hbm>>, %arg3: memref<163840x16xf32, #tpu.memory_space<hbm>>, %arg4: memref<163840xi32, #tpu.memory_space<hbm>>, %arg5: memref<163840xi32, #tpu.memory_space<hbm>>, %arg6: memref<2x10240x128xf32, #tpu.memory_space<hbm>>, %arg7: memref<2x128xi32, #tpu.memory_space<vmem>>, %arg8: memref<2x128xi32, #tpu.memory_space<vmem>>, %arg9: memref<2x128x128xf32, #tpu.memory_space<vmem>>, %arg10: memref<64x16xf32, #tpu.memory_space<vmem>>, %arg11: memref<64xi32, #tpu.memory_space<vmem>>, %arg12: memref<32x128xf32, #tpu.memory_space<vmem>>, %arg13: memref<10240x128xf32, #tpu.memory_space<vmem_shared>>, %arg14: memref<!tpu.dma_semaphore, #tpu.memory_space<semaphore_mem>>, %arg15: memref<!tpu.dma_semaphore, #tpu.memory_space<semaphore_mem>>) attributes {dimension_semantics = [#tpu.dimension_semantics<core_parallel>, #tpu.dimension_semantics<subcore_parallel>], iteration_bounds = array<i64: 2, 16>, scalar_prefetch = 0 : i64, scratch_operands = 9 : i64, tpu.core_type = #tpu.core_type<sc_vector_subcore>, window_params = [{transform_indices = #map}, {transform_indices = #map}, {transform_indices = #map1}, {transform_indices = #map1}, {transform_indices = #map2}]} {
    %broadcast_in_dim3A = arith.constant 0.000000e+00 : f32
    %broadcast_in_dim3A_0 = vector.broadcast %broadcast_in_dim3A : f32 to vector<16xf32>
    %scan3A = arith.constant 0 : i32
    %scan3A_1 = arith.constant 0 : i32
    %scan3A_2 = arith.constant 32 : i32
    %scan3A_3 = arith.addi %scan3A_1, %scan3A_2 : i32
    %scan3A_4 = arith.constant 1 : i32
    %scan3A_5 = scf.for %scan3A_32 = %scan3A_1 to %scan3A_3 step %scan3A_4 iter_args(%scan3A_33 = %scan3A) -> (i32)  : i32 {
      %swap3A = arith.index_cast %scan3A_32 : i32 to index
      %swap3A_34 = arith.constant 0 : index
      %swap3A_35 = tpu.vector_load %arg12[%swap3A, %swap3A_34] {strides = array<i32>} : memref<32x128xf32, #tpu.memory_space<vmem>>, vector<1x16xf32>,
      %swap3A_36 = vector.shape_cast %swap3A_35 : vector<1x16xf32> to vector<16xf32>
      %swap3A_37 = vector.shape_cast %broadcast_in_dim3A_0 : vector<16xf32> to vector<1x16xf32>
      tpu.vector_store %arg12[%swap3A, %swap3A_34], %swap3A_37 {strides = array<i32>} : memref<32x128xf32, #tpu.memory_space<vmem>>, vector<1x16xf32>,
      %swap3A_38 = arith.index_cast %scan3A_32 : i32 to index
      %swap3A_39 = arith.constant 16 : index
      %swap3A_40 = tpu.vector_load %arg12[%swap3A_38, %swap3A_39] {strides = array<i32>} : memref<32x128xf32, #tpu.memory_space<vmem>>, vector<1x16xf32>,
      %swap3A_41 = vector.shape_cast %swap3A_40 : vector<1x16xf32> to vector<16xf32>
      %swap3A_42 = vector.shape_cast %broadcast_in_dim3A_0 : vector<16xf32> to vector<1x16xf32>
      tpu.vector_store %arg12[%swap3A_38, %swap3A_39], %swap3A_42 {strides = array<i32>} : memref<32x128xf32, #tpu.memory_space<vmem>>, vector<1x16xf32>,
      %swap3A_43 = arith.index_cast %scan3A_32 : i32 to index
      %swap3A_44 = arith.constant 32 : index
      %swap3A_45 = tpu.vector_load %arg12[%swap3A_43, %swap3A_44] {strides = array<i32>} : memref<32x128xf32, #tpu.memory_space<vmem>>, vector<1x16xf32>,
      %swap3A_46 = vector.shape_cast %swap3A_45 : vector<1x16xf32> to vector<16xf32>
      %swap3A_47 = vector.shape_cast %broadcast_in_dim3A_0 : vector<16xf32> to vector<1x16xf32>
      tpu.vector_store %arg12[%swap3A_43, %swap3A_44], %swap3A_47 {strides = array<i32>} : memref<32x128xf32, #tpu.memory_space<vmem>>, vector<1x16xf32>,
      %swap3A_48 = arith.index_cast %scan3A_32 : i32 to index
      %swap3A_49 = arith.constant 48 : index
      %swap3A_50 = tpu.vector_load %arg12[%swap3A_48, %swap3A_49] {strides = array<i32>} : memref<32x128xf32, #tpu.memory_space<vmem>>, vector<1x16xf32>,
      %swap3A_51 = vector.shape_cast %swap3A_50 : vector<1x16xf32> to vector<16xf32>
      %swap3A_52 = vector.shape_cast %broadcast_in_dim3A_0 : vector<16xf32> to vector<1x16xf32>
      tpu.vector_store %arg12[%swap3A_48, %swap3A_49], %swap3A_52 {strides = array<i32>} : memref<32x128xf32, #tpu.memory_space<vmem>>, vector<1x16xf32>,
      %swap3A_53 = arith.index_cast %scan3A_32 : i32 to index
      %swap3A_54 = arith.constant 64 : index
      %swap3A_55 = tpu.vector_load %arg12[%swap3A_53, %swap3A_54] {strides = array<i32>} : memref<32x128xf32, #tpu.memory_space<vmem>>, vector<1x16xf32>,
      %swap3A_56 = vector.shape_cast %swap3A_55 : vector<1x16xf32> to vector<16xf32>
      %swap3A_57 = vector.shape_cast %broadcast_in_dim3A_0 : vector<16xf32> to vector<1x16xf32>
      tpu.vector_store %arg12[%swap3A_53, %swap3A_54], %swap3A_57 {strides = array<i32>} : memref<32x128xf32, #tpu.memory_space<vmem>>, vector<1x16xf32>,
      %swap3A_58 = arith.index_cast %scan3A_32 : i32 to index
      %swap3A_59 = arith.constant 80 : index
      %swap3A_60 = tpu.vector_load %arg12[%swap3A_58, %swap3A_59] {strides = array<i32>} : memref<32x128xf32, #tpu.memory_space<vmem>>, vector<1x16xf32>,
      %swap3A_61 = vector.shape_cast %swap3A_60 : vector<1x16xf32> to vector<16xf32>
      %swap3A_62 = vector.shape_cast %broadcast_in_dim3A_0 : vector<16xf32> to vector<1x16xf32>
      tpu.vector_store %arg12[%swap3A_58, %swap3A_59], %swap3A_62 {strides = array<i32>} : memref<32x128xf32, #tpu.memory_space<vmem>>, vector<1x16xf32>,
      %swap3A_63 = arith.index_cast %scan3A_32 : i32 to index
      %swap3A_64 = arith.constant 96 : index
      %swap3A_65 = tpu.vector_load %arg12[%swap3A_63, %swap3A_64] {strides = array<i32>} : memref<32x128xf32, #tpu.memory_space<vmem>>, vector<1x16xf32>,
      %swap3A_66 = vector.shape_cast %swap3A_65 : vector<1x16xf32> to vector<16xf32>
      %swap3A_67 = vector.shape_cast %broadcast_in_dim3A_0 : vector<16xf32> to vector<1x16xf32>
      tpu.vector_store %arg12[%swap3A_63, %swap3A_64], %swap3A_67 {strides = array<i32>} : memref<32x128xf32, #tpu.memory_space<vmem>>, vector<1x16xf32>,
      %swap3A_68 = arith.index_cast %scan3A_32 : i32 to index
      %swap3A_69 = arith.constant 112 : index
      %swap3A_70 = tpu.vector_load %arg12[%swap3A_68, %swap3A_69] {strides = array<i32>} : memref<32x128xf32, #tpu.memory_space<vmem>>, vector<1x16xf32>,
      %swap3A_71 = vector.shape_cast %swap3A_70 : vector<1x16xf32> to vector<16xf32>
      %swap3A_72 = vector.shape_cast %broadcast_in_dim3A_0 : vector<16xf32> to vector<1x16xf32>
      tpu.vector_store %arg12[%swap3A_68, %swap3A_69], %swap3A_72 {strides = array<i32>} : memref<32x128xf32, #tpu.memory_space<vmem>>, vector<1x16xf32>,
      %scan3A_73 = arith.constant 0 : i32
      scf.yield %scan3A_73 : i32
    }
    %scan3A_6 = arith.constant 32 : i32
    %mul3A = arith.constant 640 : i32
    %mul3A_7 = arith.muli %arg1, %mul3A : i32
    %scan3A_8 = arith.constant 0 : i32
    %scan3A_9 = arith.constant 0 : i32
    %scan3A_10 = arith.constant 20 : i32
    %scan3A_11 = arith.addi %scan3A_9, %scan3A_10 : i32
    %scan3A_12 = arith.constant 1 : i32
    %scan3A_13 = scf.for %scan3A_32 = %scan3A_9 to %scan3A_11 step %scan3A_12 iter_args(%scan3A_33 = %scan3A_8) -> (i32)  : i32 {
      %mul3A_34 = arith.constant 32 : i32
      %mul3A_35 = arith.muli %scan3A_32, %mul3A_34 : i32
      %add3A = arith.addi %mul3A_7, %mul3A_35 : i32
      "tpu.region"() ({
        %run_scoped3A = tpu.sem_alloc : memref<!tpu.dma_semaphore, #tpu.memory_space<semaphore_mem>>
        %dma_start3A = arith.constant 0 : i32
        %dma_start3A_37 = tpu.memref_slice %arg13[%add3A, %dma_start3A] : memref<10240x128xf32, #tpu.memory_space<vmem_shared>> -> memref<32x128xf32, #tpu.memory_space<vmem_shared>>
        %dma_start3A_38 = arith.constant 0 : i32
        %dma_start3A_39 = tpu.memref_slice %arg13[%add3A, %dma_start3A_38] : memref<10240x128xf32, #tpu.memory_space<vmem_shared>> -> memref<32x128xf32, #tpu.memory_space<vmem_shared>>
        tpu.enqueue_dma source(%arg12 : memref<32x128xf32, #tpu.memory_space<vmem>>) target(%dma_start3A_39 : memref<32x128xf32, #tpu.memory_space<vmem_shared>>) target_semaphore(%run_scoped3A : memref<!tpu.dma_semaphore, #tpu.memory_space<semaphore_mem>>)
        %dma_wait3A = arith.constant 0 : i32
        %dma_wait3A_40 = tpu.memref_slice %arg13[%add3A, %dma_wait3A] : memref<10240x128xf32, #tpu.memory_space<vmem_shared>> -> memref<32x128xf32, #tpu.memory_space<vmem_shared>>
        %dma_wait3A_41 = arith.constant 0 : i32
        %dma_wait3A_42 = tpu.memref_slice %arg13[%add3A, %dma_wait3A_41] : memref<10240x128xf32, #tpu.memory_space<vmem_shared>> -> memref<32x128xf32, #tpu.memory_space<vmem_shared>>
        tpu.wait_dma2 semaphore(%run_scoped3A : memref<!tpu.dma_semaphore, #tpu.memory_space<semaphore_mem>>) src(%arg12 : memref<32x128xf32, #tpu.memory_space<vmem>>) dst(%dma_wait3A_42 : memref<32x128xf32, #tpu.memory_space<vmem_shared>>)
        tpu.yield
      }) : () -> ()
      %scan3A_36 = arith.constant 0 : i32
      scf.yield %scan3A_36 : i32
    }
    %scan3A_14 = arith.constant 20 : i32
    %barrier3A = arith.constant 0 : index
    tpu.barrier barrier_id(%barrier3A)
    %mul3A_15 = arith.constant 10240 : i32
    %mul3A_16 = arith.muli %arg1, %mul3A_15 : i32
    %eq3A = arith.constant 0 : i32
    %eq3A_17 = arith.cmpi eq, %arg0, %eq3A : i32
    %convert_element_type3A = arith.extui %eq3A_17 : i1 to i32
    %cond3A = arith.constant 0 : i32
    %cond3A_18 = arith.cmpi ne, %convert_element_type3A, %cond3A : i32
    scf.if %cond3A_18 {
      %run_scoped3A = arith.constant 0 : i32
      "tpu.region"() ({
        %run_scoped3A_51 = tpu.sem_alloc : memref<!tpu.dma_semaphore, #tpu.memory_space<semaphore_mem>>
        %dma_start3A_52 = arith.constant 0 : i32
        %dma_start3A_53 = tpu.memref_slice %arg7[%run_scoped3A, %dma_start3A_52] : memref<2x128xi32, #tpu.memory_space<vmem>> -> memref<1x128xi32, #tpu.memory_space<vmem>>
        %dma_start3A_54 = tpu.memref_squeeze %dma_start3A_53 : memref<1x128xi32, #tpu.memory_space<vmem>> -> memref<128xi32, #tpu.memory_space<vmem>>
        %dma_start3A_55 = tpu.memref_slice %arg4[%mul3A_16] : memref<163840xi32, #tpu.memory_space<hbm>> -> memref<128xi32, #tpu.memory_space<hbm>>
        %dma_start3A_56 = arith.constant 0 : i32
        %dma_start3A_57 = tpu.memref_slice %arg7[%run_scoped3A, %dma_start3A_56] : memref<2x128xi32, #tpu.memory_space<vmem>> -> memref<1x128xi32, #tpu.memory_space<vmem>>
        %dma_start3A_58 = tpu.memref_squeeze %dma_start3A_57 : memref<1x128xi32, #tpu.memory_space<vmem>> -> memref<128xi32, #tpu.memory_space<vmem>>
        %dma_start3A_59 = tpu.memref_slice %arg4[%mul3A_16] : memref<163840xi32, #tpu.memory_space<hbm>> -> memref<128xi32, #tpu.memory_space<hbm>>
        tpu.enqueue_dma source(%dma_start3A_59 : memref<128xi32, #tpu.memory_space<hbm>>) target(%dma_start3A_58 : memref<128xi32, #tpu.memory_space<vmem>>) target_semaphore(%run_scoped3A_51 : memref<!tpu.dma_semaphore, #tpu.memory_space<semaphore_mem>>)
        %dma_wait3A = arith.constant 0 : i32
        %dma_wait3A_60 = tpu.memref_slice %arg7[%run_scoped3A, %dma_wait3A] : memref<2x128xi32, #tpu.memory_space<vmem>> -> memref<1x128xi32, #tpu.memory_space<vmem>>
        %dma_wait3A_61 = tpu.memref_squeeze %dma_wait3A_60 : memref<1x128xi32, #tpu.memory_space<vmem>> -> memref<128xi32, #tpu.memory_space<vmem>>
        %dma_wait3A_62 = tpu.memref_slice %arg4[%mul3A_16] : memref<163840xi32, #tpu.memory_space<hbm>> -> memref<128xi32, #tpu.memory_space<hbm>>
        %dma_wait3A_63 = arith.constant 0 : i32
        %dma_wait3A_64 = tpu.memref_slice %arg7[%run_scoped3A, %dma_wait3A_63] : memref<2x128xi32, #tpu.memory_space<vmem>> -> memref<1x128xi32, #tpu.memory_space<vmem>>
        %dma_wait3A_65 = tpu.memref_squeeze %dma_wait3A_64 : memref<1x128xi32, #tpu.memory_space<vmem>> -> memref<128xi32, #tpu.memory_space<vmem>>
        %dma_wait3A_66 = tpu.memref_slice %arg4[%mul3A_16] : memref<163840xi32, #tpu.memory_space<hbm>> -> memref<128xi32, #tpu.memory_space<hbm>>
        tpu.wait_dma2 semaphore(%run_scoped3A_51 : memref<!tpu.dma_semaphore, #tpu.memory_space<semaphore_mem>>) src(%dma_wait3A_66 : memref<128xi32, #tpu.memory_space<hbm>>) dst(%dma_wait3A_65 : memref<128xi32, #tpu.memory_space<vmem>>)
        tpu.yield
      }) : () -> ()
      %run_scoped3A_32 = arith.constant 0 : i32
      "tpu.region"() ({
        %run_scoped3A_51 = tpu.sem_alloc : memref<!tpu.dma_semaphore, #tpu.memory_space<semaphore_mem>>
        %dma_start3A_52 = arith.constant 0 : i32
        %dma_start3A_53 = tpu.memref_slice %arg8[%run_scoped3A_32, %dma_start3A_52] : memref<2x128xi32, #tpu.memory_space<vmem>> -> memref<1x128xi32, #tpu.memory_space<vmem>>
        %dma_start3A_54 = tpu.memref_squeeze %dma_start3A_53 : memref<1x128xi32, #tpu.memory_space<vmem>> -> memref<128xi32, #tpu.memory_space<vmem>>
        %dma_start3A_55 = tpu.memref_slice %arg5[%mul3A_16] : memref<163840xi32, #tpu.memory_space<hbm>> -> memref<128xi32, #tpu.memory_space<hbm>>
        %dma_start3A_56 = arith.constant 0 : i32
        %dma_start3A_57 = tpu.memref_slice %arg8[%run_scoped3A_32, %dma_start3A_56] : memref<2x128xi32, #tpu.memory_space<vmem>> -> memref<1x128xi32, #tpu.memory_space<vmem>>
        %dma_start3A_58 = tpu.memref_squeeze %dma_start3A_57 : memref<1x128xi32, #tpu.memory_space<vmem>> -> memref<128xi32, #tpu.memory_space<vmem>>
        %dma_start3A_59 = tpu.memref_slice %arg5[%mul3A_16] : memref<163840xi32, #tpu.memory_space<hbm>> -> memref<128xi32, #tpu.memory_space<hbm>>
        tpu.enqueue_dma source(%dma_start3A_59 : memref<128xi32, #tpu.memory_space<hbm>>) target(%dma_start3A_58 : memref<128xi32, #tpu.memory_space<vmem>>) target_semaphore(%run_scoped3A_51 : memref<!tpu.dma_semaphore, #tpu.memory_space<semaphore_mem>>)
        %dma_wait3A = arith.constant 0 : i32
        %dma_wait3A_60 = tpu.memref_slice %arg8[%run_scoped3A_32, %dma_wait3A] : memref<2x128xi32, #tpu.memory_space<vmem>> -> memref<1x128xi32, #tpu.memory_space<vmem>>
        %dma_wait3A_61 = tpu.memref_squeeze %dma_wait3A_60 : memref<1x128xi32, #tpu.memory_space<vmem>> -> memref<128xi32, #tpu.memory_space<vmem>>
        %dma_wait3A_62 = tpu.memref_slice %arg5[%mul3A_16] : memref<163840xi32, #tpu.memory_space<hbm>> -> memref<128xi32, #tpu.memory_space<hbm>>
        %dma_wait3A_63 = arith.constant 0 : i32
        %dma_wait3A_64 = tpu.memref_slice %arg8[%run_scoped3A_32, %dma_wait3A_63] : memref<2x128xi32, #tpu.memory_space<vmem>> -> memref<1x128xi32, #tpu.memory_space<vmem>>
        %dma_wait3A_65 = tpu.memref_squeeze %dma_wait3A_64 : memref<1x128xi32, #tpu.memory_space<vmem>> -> memref<128xi32, #tpu.memory_space<vmem>>
        %dma_wait3A_66 = tpu.memref_slice %arg5[%mul3A_16] : memref<163840xi32, #tpu.memory_space<hbm>> -> memref<128xi32, #tpu.memory_space<hbm>>
        tpu.wait_dma2 semaphore(%run_scoped3A_51 : memref<!tpu.dma_semaphore, #tpu.memory_space<semaphore_mem>>) src(%dma_wait3A_66 : memref<128xi32, #tpu.memory_space<hbm>>) dst(%dma_wait3A_65 : memref<128xi32, #tpu.memory_space<vmem>>)
        tpu.yield
      }) : () -> ()
      %dma_start3A = arith.constant 0 : i32
      %dma_start3A_33 = arith.constant 0 : i32
      %dma_start3A_34 = arith.constant 0 : i32
      %dma_start3A_35 = arith.constant 0 : i32
      %dma_start3A_36 = tpu.memref_slice %arg9[%dma_start3A_33, %dma_start3A_34, %dma_start3A_35] : memref<2x128x128xf32, #tpu.memory_space<vmem>> -> memref<1x128x128xf32, #tpu.memory_space<vmem>>
      %dma_start3A_37 = tpu.memref_squeeze %dma_start3A_36 : memref<1x128x128xf32, #tpu.memory_space<vmem>> -> memref<128x128xf32, #tpu.memory_space<vmem>>
      %dma_start3A_38 = arith.constant 0 : i32
      %dma_start3A_39 = tpu.memref_slice %arg7[%dma_start3A, %dma_start3A_38] : memref<2x128xi32, #tpu.memory_space<vmem>> -> memref<1x128xi32, #tpu.memory_space<vmem>>
      %dma_start3A_40 = tpu.memref_squeeze %dma_start3A_39 : memref<1x128xi32, #tpu.memory_space<vmem>> -> memref<128xi32, #tpu.memory_space<vmem>>
      %dma_start3A_41 = arith.constant 0 : i32
      %dma_start3A_42 = arith.constant 0 : i32
      %dma_start3A_43 = tpu.memref_slice %arg2[%dma_start3A_41, %dma_start3A_42] : memref<10240x128xf32, #tpu.memory_space<hbm>> -> memref<10240x128xf32, #tpu.memory_space<hbm>>
      tpu.enqueue_indirect_dma source(%dma_start3A_43 : memref<10240x128xf32, #tpu.memory_space<hbm>>) target(%dma_start3A_37 : memref<128x128xf32, #tpu.memory_space<vmem>>) offsets(%dma_start3A_40 : memref<128xi32, #tpu.memory_space<vmem>>) semaphore(%arg14 : memref<!tpu.dma_semaphore, #tpu.memory_space<semaphore_mem>>)
      %scan3A_44 = arith.constant 0 : i32
      %scan3A_45 = arith.constant 0 : i32
      %scan3A_46 = arith.constant 40 : i32
      %scan3A_47 = arith.addi %scan3A_45, %scan3A_46 : i32
      %scan3A_48 = arith.constant 1 : i32
      %scan3A_49 = scf.for %scan3A_51 = %scan3A_45 to %scan3A_47 step %scan3A_48 iter_args(%scan3A_52 = %scan3A_44) -> (i32)  : i32 {
        %mul3A_53 = arith.constant 2 : i32
        %mul3A_54 = arith.muli %scan3A_51, %mul3A_53 : i32
        %add3A = arith.constant 0 : i32
        %add3A_55 = arith.addi %mul3A_54, %add3A : i32
        %add3A_56 = arith.constant 1 : i32
        %add3A_57 = arith.addi %add3A_55, %add3A_56 : i32
        %lt3A = arith.constant 80 : i32
        %lt3A_58 = arith.cmpi slt, %add3A_57, %lt3A : i32
        %convert_element_type3A_59 = arith.extui %lt3A_58 : i1 to i32
        %cond3A_60 = arith.constant 0 : i32
        %cond3A_61 = arith.cmpi ne, %convert_element_type3A_59, %cond3A_60 : i32
        scf.if %cond3A_61 {
          %add3A_101 = arith.constant 1 : i32
          %add3A_102 = arith.addi %add3A_55, %add3A_101 : i32
          %mul3A_103 = arith.constant 128 : i32
          %mul3A_104 = arith.muli %add3A_102, %mul3A_103 : i32
          %add3A_105 = arith.addi %mul3A_16, %mul3A_104 : i32
          %run_scoped3A_106 = arith.constant 1 : i32
          "tpu.region"() ({
            %run_scoped3A_120 = tpu.sem_alloc : memref<!tpu.dma_semaphore, #tpu.memory_space<semaphore_mem>>
            %dma_start3A_121 = arith.constant 0 : i32
            %dma_start3A_122 = tpu.memref_slice %arg7[%run_scoped3A_106, %dma_start3A_121] : memref<2x128xi32, #tpu.memory_space<vmem>> -> memref<1x128xi32, #tpu.memory_space<vmem>>
            %dma_start3A_123 = tpu.memref_squeeze %dma_start3A_122 : memref<1x128xi32, #tpu.memory_space<vmem>> -> memref<128xi32, #tpu.memory_space<vmem>>
            %dma_start3A_124 = tpu.memref_slice %arg4[%add3A_105] : memref<163840xi32, #tpu.memory_space<hbm>> -> memref<128xi32, #tpu.memory_space<hbm>>
            %dma_start3A_125 = arith.constant 0 : i32
            %dma_start3A_126 = tpu.memref_slice %arg7[%run_scoped3A_106, %dma_start3A_125] : memref<2x128xi32, #tpu.memory_space<vmem>> -> memref<1x128xi32, #tpu.memory_space<vmem>>
            %dma_start3A_127 = tpu.memref_squeeze %dma_start3A_126 : memref<1x128xi32, #tpu.memory_space<vmem>> -> memref<128xi32, #tpu.memory_space<vmem>>
            %dma_start3A_128 = tpu.memref_slice %arg4[%add3A_105] : memref<163840xi32, #tpu.memory_space<hbm>> -> memref<128xi32, #tpu.memory_space<hbm>>
            tpu.enqueue_dma source(%dma_start3A_128 : memref<128xi32, #tpu.memory_space<hbm>>) target(%dma_start3A_127 : memref<128xi32, #tpu.memory_space<vmem>>) target_semaphore(%run_scoped3A_120 : memref<!tpu.dma_semaphore, #tpu.memory_space<semaphore_mem>>)
            %dma_wait3A_129 = arith.constant 0 : i32
            %dma_wait3A_130 = tpu.memref_slice %arg7[%run_scoped3A_106, %dma_wait3A_129] : memref<2x128xi32, #tpu.memory_space<vmem>> -> memref<1x128xi32, #tpu.memory_space<vmem>>
            %dma_wait3A_131 = tpu.memref_squeeze %dma_wait3A_130 : memref<1x128xi32, #tpu.memory_space<vmem>> -> memref<128xi32, #tpu.memory_space<vmem>>
            %dma_wait3A_132 = tpu.memref_slice %arg4[%add3A_105] : memref<163840xi32, #tpu.memory_space<hbm>> -> memref<128xi32, #tpu.memory_space<hbm>>
            %dma_wait3A_133 = arith.constant 0 : i32
            %dma_wait3A_134 = tpu.memref_slice %arg7[%run_scoped3A_106, %dma_wait3A_133] : memref<2x128xi32, #tpu.memory_space<vmem>> -> memref<1x128xi32, #tpu.memory_space<vmem>>
            %dma_wait3A_135 = tpu.memref_squeeze %dma_wait3A_134 : memref<1x128xi32, #tpu.memory_space<vmem>> -> memref<128xi32, #tpu.memory_space<vmem>>
            %dma_wait3A_136 = tpu.memref_slice %arg4[%add3A_105] : memref<163840xi32, #tpu.memory_space<hbm>> -> memref<128xi32, #tpu.memory_space<hbm>>
            tpu.wait_dma2 semaphore(%run_scoped3A_120 : memref<!tpu.dma_semaphore, #tpu.memory_space<semaphore_mem>>) src(%dma_wait3A_136 : memref<128xi32, #tpu.memory_space<hbm>>) dst(%dma_wait3A_135 : memref<128xi32, #tpu.memory_space<vmem>>)
            tpu.yield
          }) : () -> ()
          %run_scoped3A_107 = arith.constant 1 : i32
          "tpu.region"() ({
            %run_scoped3A_120 = tpu.sem_alloc : memref<!tpu.dma_semaphore, #tpu.memory_space<semaphore_mem>>
            %dma_start3A_121 = arith.constant 0 : i32
            %dma_start3A_122 = tpu.memref_slice %arg8[%run_scoped3A_107, %dma_start3A_121] : memref<2x128xi32, #tpu.memory_space<vmem>> -> memref<1x128xi32, #tpu.memory_space<vmem>>
            %dma_start3A_123 = tpu.memref_squeeze %dma_start3A_122 : memref<1x128xi32, #tpu.memory_space<vmem>> -> memref<128xi32, #tpu.memory_space<vmem>>
            %dma_start3A_124 = tpu.memref_slice %arg5[%add3A_105] : memref<163840xi32, #tpu.memory_space<hbm>> -> memref<128xi32, #tpu.memory_space<hbm>>
            %dma_start3A_125 = arith.constant 0 : i32
            %dma_start3A_126 = tpu.memref_slice %arg8[%run_scoped3A_107, %dma_start3A_125] : memref<2x128xi32, #tpu.memory_space<vmem>> -> memref<1x128xi32, #tpu.memory_space<vmem>>
            %dma_start3A_127 = tpu.memref_squeeze %dma_start3A_126 : memref<1x128xi32, #tpu.memory_space<vmem>> -> memref<128xi32, #tpu.memory_space<vmem>>
            %dma_start3A_128 = tpu.memref_slice %arg5[%add3A_105] : memref<163840xi32, #tpu.memory_space<hbm>> -> memref<128xi32, #tpu.memory_space<hbm>>
            tpu.enqueue_dma source(%dma_start3A_128 : memref<128xi32, #tpu.memory_space<hbm>>) target(%dma_start3A_127 : memref<128xi32, #tpu.memory_space<vmem>>) target_semaphore(%run_scoped3A_120 : memref<!tpu.dma_semaphore, #tpu.memory_space<semaphore_mem>>)
            %dma_wait3A_129 = arith.constant 0 : i32
            %dma_wait3A_130 = tpu.memref_slice %arg8[%run_scoped3A_107, %dma_wait3A_129] : memref<2x128xi32, #tpu.memory_space<vmem>> -> memref<1x128xi32, #tpu.memory_space<vmem>>
            %dma_wait3A_131 = tpu.memref_squeeze %dma_wait3A_130 : memref<1x128xi32, #tpu.memory_space<vmem>> -> memref<128xi32, #tpu.memory_space<vmem>>
            %dma_wait3A_132 = tpu.memref_slice %arg5[%add3A_105] : memref<163840xi32, #tpu.memory_space<hbm>> -> memref<128xi32, #tpu.memory_space<hbm>>
            %dma_wait3A_133 = arith.constant 0 : i32
            %dma_wait3A_134 = tpu.memref_slice %arg8[%run_scoped3A_107, %dma_wait3A_133] : memref<2x128xi32, #tpu.memory_space<vmem>> -> memref<1x128xi32, #tpu.memory_space<vmem>>
            %dma_wait3A_135 = tpu.memref_squeeze %dma_wait3A_134 : memref<1x128xi32, #tpu.memory_space<vmem>> -> memref<128xi32, #tpu.memory_space<vmem>>
            %dma_wait3A_136 = tpu.memref_slice %arg5[%add3A_105] : memref<163840xi32, #tpu.memory_space<hbm>> -> memref<128xi32, #tpu.memory_space<hbm>>
            tpu.wait_dma2 semaphore(%run_scoped3A_120 : memref<!tpu.dma_semaphore, #tpu.memory_space<semaphore_mem>>) src(%dma_wait3A_136 : memref<128xi32, #tpu.memory_space<hbm>>) dst(%dma_wait3A_135 : memref<128xi32, #tpu.memory_space<vmem>>)
            tpu.yield
          }) : () -> ()
          %dma_start3A_108 = arith.constant 1 : i32
          %dma_start3A_109 = arith.constant 1 : i32
          %dma_start3A_110 = arith.constant 0 : i32
          %dma_start3A_111 = arith.constant 0 : i32
          %dma_start3A_112 = tpu.memref_slice %arg9[%dma_start3A_109, %dma_start3A_110, %dma_start3A_111] : memref<2x128x128xf32, #tpu.memory_space<vmem>> -> memref<1x128x128xf32, #tpu.memory_space<vmem>>
          %dma_start3A_113 = tpu.memref_squeeze %dma_start3A_112 : memref<1x128x128xf32, #tpu.memory_space<vmem>> -> memref<128x128xf32, #tpu.memory_space<vmem>>
          %dma_start3A_114 = arith.constant 0 : i32
          %dma_start3A_115 = tpu.memref_slice %arg7[%dma_start3A_108, %dma_start3A_114] : memref<2x128xi32, #tpu.memory_space<vmem>> -> memref<1x128xi32, #tpu.memory_space<vmem>>
          %dma_start3A_116 = tpu.memref_squeeze %dma_start3A_115 : memref<1x128xi32, #tpu.memory_space<vmem>> -> memref<128xi32, #tpu.memory_space<vmem>>
          %dma_start3A_117 = arith.constant 0 : i32
          %dma_start3A_118 = arith.constant 0 : i32
          %dma_start3A_119 = tpu.memref_slice %arg2[%dma_start3A_117, %dma_start3A_118] : memref<10240x128xf32, #tpu.memory_space<hbm>> -> memref<10240x128xf32, #tpu.memory_space<hbm>>
          tpu.enqueue_indirect_dma source(%dma_start3A_119 : memref<10240x128xf32, #tpu.memory_space<hbm>>) target(%dma_start3A_113 : memref<128x128xf32, #tpu.memory_space<vmem>>) offsets(%dma_start3A_116 : memref<128xi32, #tpu.memory_space<vmem>>) semaphore(%arg15 : memref<!tpu.dma_semaphore, #tpu.memory_space<semaphore_mem>>)
        } else {
        }
        %dma_wait3A = arith.constant 0 : i32
        %dma_wait3A_62 = arith.constant 0 : i32
        %dma_wait3A_63 = arith.constant 0 : i32
        %dma_wait3A_64 = arith.constant 0 : i32
        %dma_wait3A_65 = tpu.memref_slice %arg9[%dma_wait3A_62, %dma_wait3A_63, %dma_wait3A_64] : memref<2x128x128xf32, #tpu.memory_space<vmem>> -> memref<1x128x128xf32, #tpu.memory_space<vmem>>
        %dma_wait3A_66 = tpu.memref_squeeze %dma_wait3A_65 : memref<1x128x128xf32, #tpu.memory_space<vmem>> -> memref<128x128xf32, #tpu.memory_space<vmem>>
        %dma_wait3A_67 = arith.constant 0 : i32
        %dma_wait3A_68 = tpu.memref_slice %arg7[%dma_wait3A, %dma_wait3A_67] : memref<2x128xi32, #tpu.memory_space<vmem>> -> memref<1x128xi32, #tpu.memory_space<vmem>>
        %dma_wait3A_69 = tpu.memref_squeeze %dma_wait3A_68 : memref<1x128xi32, #tpu.memory_space<vmem>> -> memref<128xi32, #tpu.memory_space<vmem>>
        %dma_wait3A_70 = arith.constant 0 : i32
        %dma_wait3A_71 = arith.constant 0 : i32
        %dma_wait3A_72 = tpu.memref_slice %arg2[%dma_wait3A_70, %dma_wait3A_71] : memref<10240x128xf32, #tpu.memory_space<hbm>> -> memref<10240x128xf32, #tpu.memory_space<hbm>>
        tpu.wait_indirect_dma semaphore(%arg14 : memref<!tpu.dma_semaphore, #tpu.memory_space<semaphore_mem>>) src(%dma_wait3A_72 : memref<10240x128xf32, #tpu.memory_space<hbm>>) dst(%dma_wait3A_66 : memref<128x128xf32, #tpu.memory_space<vmem>>)
        %run_scoped3A_73 = arith.constant 0 : i32
        %run_scoped3A_74 = arith.constant 0 : i32
        "tpu.region"() ({
          %run_scoped3A_101 = tpu.sem_alloc : memref<!tpu.dma_semaphore, #tpu.memory_space<semaphore_mem>>
          %dma_start3A_102 = arith.constant 0 : i32
          %dma_start3A_103 = arith.constant 0 : i32
          %dma_start3A_104 = tpu.memref_slice %arg9[%run_scoped3A_73, %dma_start3A_102, %dma_start3A_103] : memref<2x128x128xf32, #tpu.memory_space<vmem>> -> memref<1x128x128xf32, #tpu.memory_space<vmem>>
          %dma_start3A_105 = tpu.memref_squeeze %dma_start3A_104 : memref<1x128x128xf32, #tpu.memory_space<vmem>> -> memref<128x128xf32, #tpu.memory_space<vmem>>
          %dma_start3A_106 = arith.constant 0 : i32
          %dma_start3A_107 = tpu.memref_slice %arg8[%run_scoped3A_74, %dma_start3A_106] : memref<2x128xi32, #tpu.memory_space<vmem>> -> memref<1x128xi32, #tpu.memory_space<vmem>>
          %dma_start3A_108 = tpu.memref_squeeze %dma_start3A_107 : memref<1x128xi32, #tpu.memory_space<vmem>> -> memref<128xi32, #tpu.memory_space<vmem>>
          %dma_start3A_109 = arith.constant 0 : i32
          %dma_start3A_110 = arith.constant 0 : i32
          %dma_start3A_111 = tpu.memref_slice %arg13[%dma_start3A_109, %dma_start3A_110] : memref<10240x128xf32, #tpu.memory_space<vmem_shared>> -> memref<10240x128xf32, #tpu.memory_space<vmem_shared>>
          tpu.enqueue_indirect_dma source(%dma_start3A_105 : memref<128x128xf32, #tpu.memory_space<vmem>>) target(%dma_start3A_111 : memref<10240x128xf32, #tpu.memory_space<vmem_shared>>) offsets(%dma_start3A_108 : memref<128xi32, #tpu.memory_space<vmem>>) semaphore(%run_scoped3A_101 : memref<!tpu.dma_semaphore, #tpu.memory_space<semaphore_mem>>) {add = true}
          %dma_wait3A_112 = arith.constant 0 : i32
          %dma_wait3A_113 = arith.constant 0 : i32
          %dma_wait3A_114 = tpu.memref_slice %arg9[%run_scoped3A_73, %dma_wait3A_112, %dma_wait3A_113] : memref<2x128x128xf32, #tpu.memory_space<vmem>> -> memref<1x128x128xf32, #tpu.memory_space<vmem>>
          %dma_wait3A_115 = tpu.memref_squeeze %dma_wait3A_114 : memref<1x128x128xf32, #tpu.memory_space<vmem>> -> memref<128x128xf32, #tpu.memory_space<vmem>>
          %dma_wait3A_116 = arith.constant 0 : i32
          %dma_wait3A_117 = tpu.memref_slice %arg8[%run_scoped3A_74, %dma_wait3A_116] : memref<2x128xi32, #tpu.memory_space<vmem>> -> memref<1x128xi32, #tpu.memory_space<vmem>>
          %dma_wait3A_118 = tpu.memref_squeeze %dma_wait3A_117 : memref<1x128xi32, #tpu.memory_space<vmem>> -> memref<128xi32, #tpu.memory_space<vmem>>
          %dma_wait3A_119 = arith.constant 0 : i32
          %dma_wait3A_120 = arith.constant 0 : i32
          %dma_wait3A_121 = tpu.memref_slice %arg13[%dma_wait3A_119, %dma_wait3A_120] : memref<10240x128xf32, #tpu.memory_space<vmem_shared>> -> memref<10240x128xf32, #tpu.memory_space<vmem_shared>>
          tpu.wait_indirect_dma semaphore(%run_scoped3A_101 : memref<!tpu.dma_semaphore, #tpu.memory_space<semaphore_mem>>) src(%dma_wait3A_115 : memref<128x128xf32, #tpu.memory_space<vmem>>) dst(%dma_wait3A_121 : memref<10240x128xf32, #tpu.memory_space<vmem_shared>>)
          tpu.yield
        }) : () -> ()
        %mul3A_75 = arith.constant 2 : i32
        %mul3A_76 = arith.muli %scan3A_51, %mul3A_75 : i32
        %add3A_77 = arith.constant 1 : i32
        %add3A_78 = arith.addi %mul3A_76, %add3A_77 : i32
        %add3A_79 = arith.constant 1 : i32
        %add3A_80 = arith.addi %add3A_78, %add3A_79 : i32
        %lt3A_81 = arith.constant 80 : i32
        %lt3A_82 = arith.cmpi slt, %add3A_80, %lt3A_81 : i32
        %convert_element_type3A_83 = arith.extui %lt3A_82 : i1 to i32
        %cond3A_84 = arith.constant 0 : i32
        %cond3A_85 = arith.cmpi ne, %convert_element_type3A_83, %cond3A_84 : i32
        scf.if %cond3A_85 {
          %add3A_101 = arith.constant 1 : i32
          %add3A_102 = arith.addi %add3A_78, %add3A_101 : i32
          %mul3A_103 = arith.constant 128 : i32
          %mul3A_104 = arith.muli %add3A_102, %mul3A_103 : i32
          %add3A_105 = arith.addi %mul3A_16, %mul3A_104 : i32
          %run_scoped3A_106 = arith.constant 0 : i32
          "tpu.region"() ({
            %run_scoped3A_120 = tpu.sem_alloc : memref<!tpu.dma_semaphore, #tpu.memory_space<semaphore_mem>>
            %dma_start3A_121 = arith.constant 0 : i32
            %dma_start3A_122 = tpu.memref_slice %arg7[%run_scoped3A_106, %dma_start3A_121] : memref<2x128xi32, #tpu.memory_space<vmem>> -> memref<1x128xi32, #tpu.memory_space<vmem>>
            %dma_start3A_123 = tpu.memref_squeeze %dma_start3A_122 : memref<1x128xi32, #tpu.memory_space<vmem>> -> memref<128xi32, #tpu.memory_space<vmem>>
            %dma_start3A_124 = tpu.memref_slice %arg4[%add3A_105] : memref<163840xi32, #tpu.memory_space<hbm>> -> memref<128xi32, #tpu.memory_space<hbm>>
            %dma_start3A_125 = arith.constant 0 : i32
            %dma_start3A_126 = tpu.memref_slice %arg7[%run_scoped3A_106, %dma_start3A_125] : memref<2x128xi32, #tpu.memory_space<vmem>> -> memref<1x128xi32, #tpu.memory_space<vmem>>
            %dma_start3A_127 = tpu.memref_squeeze %dma_start3A_126 : memref<1x128xi32, #tpu.memory_space<vmem>> -> memref<128xi32, #tpu.memory_space<vmem>>
            %dma_start3A_128 = tpu.memref_slice %arg4[%add3A_105] : memref<163840xi32, #tpu.memory_space<hbm>> -> memref<128xi32, #tpu.memory_space<hbm>>
            tpu.enqueue_dma source(%dma_start3A_128 : memref<128xi32, #tpu.memory_space<hbm>>) target(%dma_start3A_127 : memref<128xi32, #tpu.memory_space<vmem>>) target_semaphore(%run_scoped3A_120 : memref<!tpu.dma_semaphore, #tpu.memory_space<semaphore_mem>>)
            %dma_wait3A_129 = arith.constant 0 : i32
            %dma_wait3A_130 = tpu.memref_slice %arg7[%run_scoped3A_106, %dma_wait3A_129] : memref<2x128xi32, #tpu.memory_space<vmem>> -> memref<1x128xi32, #tpu.memory_space<vmem>>
            %dma_wait3A_131 = tpu.memref_squeeze %dma_wait3A_130 : memref<1x128xi32, #tpu.memory_space<vmem>> -> memref<128xi32, #tpu.memory_space<vmem>>
            %dma_wait3A_132 = tpu.memref_slice %arg4[%add3A_105] : memref<163840xi32, #tpu.memory_space<hbm>> -> memref<128xi32, #tpu.memory_space<hbm>>
            %dma_wait3A_133 = arith.constant 0 : i32
            %dma_wait3A_134 = tpu.memref_slice %arg7[%run_scoped3A_106, %dma_wait3A_133] : memref<2x128xi32, #tpu.memory_space<vmem>> -> memref<1x128xi32, #tpu.memory_space<vmem>>
            %dma_wait3A_135 = tpu.memref_squeeze %dma_wait3A_134 : memref<1x128xi32, #tpu.memory_space<vmem>> -> memref<128xi32, #tpu.memory_space<vmem>>
            %dma_wait3A_136 = tpu.memref_slice %arg4[%add3A_105] : memref<163840xi32, #tpu.memory_space<hbm>> -> memref<128xi32, #tpu.memory_space<hbm>>
            tpu.wait_dma2 semaphore(%run_scoped3A_120 : memref<!tpu.dma_semaphore, #tpu.memory_space<semaphore_mem>>) src(%dma_wait3A_136 : memref<128xi32, #tpu.memory_space<hbm>>) dst(%dma_wait3A_135 : memref<128xi32, #tpu.memory_space<vmem>>)
            tpu.yield
          }) : () -> ()
          %run_scoped3A_107 = arith.constant 0 : i32
          "tpu.region"() ({
            %run_scoped3A_120 = tpu.sem_alloc : memref<!tpu.dma_semaphore, #tpu.memory_space<semaphore_mem>>
            %dma_start3A_121 = arith.constant 0 : i32
            %dma_start3A_122 = tpu.memref_slice %arg8[%run_scoped3A_107, %dma_start3A_121] : memref<2x128xi32, #tpu.memory_space<vmem>> -> memref<1x128xi32, #tpu.memory_space<vmem>>
            %dma_start3A_123 = tpu.memref_squeeze %dma_start3A_122 : memref<1x128xi32, #tpu.memory_space<vmem>> -> memref<128xi32, #tpu.memory_space<vmem>>
            %dma_start3A_124 = tpu.memref_slice %arg5[%add3A_105] : memref<163840xi32, #tpu.memory_space<hbm>> -> memref<128xi32, #tpu.memory_space<hbm>>
            %dma_start3A_125 = arith.constant 0 : i32
            %dma_start3A_126 = tpu.memref_slice %arg8[%run_scoped3A_107, %dma_start3A_125] : memref<2x128xi32, #tpu.memory_space<vmem>> -> memref<1x128xi32, #tpu.memory_space<vmem>>
            %dma_start3A_127 = tpu.memref_squeeze %dma_start3A_126 : memref<1x128xi32, #tpu.memory_space<vmem>> -> memref<128xi32, #tpu.memory_space<vmem>>
            %dma_start3A_128 = tpu.memref_slice %arg5[%add3A_105] : memref<163840xi32, #tpu.memory_space<hbm>> -> memref<128xi32, #tpu.memory_space<hbm>>
            tpu.enqueue_dma source(%dma_start3A_128 : memref<128xi32, #tpu.memory_space<hbm>>) target(%dma_start3A_127 : memref<128xi32, #tpu.memory_space<vmem>>) target_semaphore(%run_scoped3A_120 : memref<!tpu.dma_semaphore, #tpu.memory_space<semaphore_mem>>)
            %dma_wait3A_129 = arith.constant 0 : i32
            %dma_wait3A_130 = tpu.memref_slice %arg8[%run_scoped3A_107, %dma_wait3A_129] : memref<2x128xi32, #tpu.memory_space<vmem>> -> memref<1x128xi32, #tpu.memory_space<vmem>>
            %dma_wait3A_131 = tpu.memref_squeeze %dma_wait3A_130 : memref<1x128xi32, #tpu.memory_space<vmem>> -> memref<128xi32, #tpu.memory_space<vmem>>
            %dma_wait3A_132 = tpu.memref_slice %arg5[%add3A_105] : memref<163840xi32, #tpu.memory_space<hbm>> -> memref<128xi32, #tpu.memory_space<hbm>>
            %dma_wait3A_133 = arith.constant 0 : i32
            %dma_wait3A_134 = tpu.memref_slice %arg8[%run_scoped3A_107, %dma_wait3A_133] : memref<2x128xi32, #tpu.memory_space<vmem>> -> memref<1x128xi32, #tpu.memory_space<vmem>>
            %dma_wait3A_135 = tpu.memref_squeeze %dma_wait3A_134 : memref<1x128xi32, #tpu.memory_space<vmem>> -> memref<128xi32, #tpu.memory_space<vmem>>
            %dma_wait3A_136 = tpu.memref_slice %arg5[%add3A_105] : memref<163840xi32, #tpu.memory_space<hbm>> -> memref<128xi32, #tpu.memory_space<hbm>>
            tpu.wait_dma2 semaphore(%run_scoped3A_120 : memref<!tpu.dma_semaphore, #tpu.memory_space<semaphore_mem>>) src(%dma_wait3A_136 : memref<128xi32, #tpu.memory_space<hbm>>) dst(%dma_wait3A_135 : memref<128xi32, #tpu.memory_space<vmem>>)
            tpu.yield
          }) : () -> ()
          %dma_start3A_108 = arith.constant 0 : i32
          %dma_start3A_109 = arith.constant 0 : i32
          %dma_start3A_110 = arith.constant 0 : i32
          %dma_start3A_111 = arith.constant 0 : i32
          %dma_start3A_112 = tpu.memref_slice %arg9[%dma_start3A_109, %dma_start3A_110, %dma_start3A_111] : memref<2x128x128xf32, #tpu.memory_space<vmem>> -> memref<1x128x128xf32, #tpu.memory_space<vmem>>
          %dma_start3A_113 = tpu.memref_squeeze %dma_start3A_112 : memref<1x128x128xf32, #tpu.memory_space<vmem>> -> memref<128x128xf32, #tpu.memory_space<vmem>>
          %dma_start3A_114 = arith.constant 0 : i32
          %dma_start3A_115 = tpu.memref_slice %arg7[%dma_start3A_108, %dma_start3A_114] : memref<2x128xi32, #tpu.memory_space<vmem>> -> memref<1x128xi32, #tpu.memory_space<vmem>>
          %dma_start3A_116 = tpu.memref_squeeze %dma_start3A_115 : memref<1x128xi32, #tpu.memory_space<vmem>> -> memref<128xi32, #tpu.memory_space<vmem>>
          %dma_start3A_117 = arith.constant 0 : i32
          %dma_start3A_118 = arith.constant 0 : i32
          %dma_start3A_119 = tpu.memref_slice %arg2[%dma_start3A_117, %dma_start3A_118] : memref<10240x128xf32, #tpu.memory_space<hbm>> -> memref<10240x128xf32, #tpu.memory_space<hbm>>
          tpu.enqueue_indirect_dma source(%dma_start3A_119 : memref<10240x128xf32, #tpu.memory_space<hbm>>) target(%dma_start3A_113 : memref<128x128xf32, #tpu.memory_space<vmem>>) offsets(%dma_start3A_116 : memref<128xi32, #tpu.memory_space<vmem>>) semaphore(%arg14 : memref<!tpu.dma_semaphore, #tpu.memory_space<semaphore_mem>>)
        } else {
        }
        %dma_wait3A_86 = arith.constant 1 : i32
        %dma_wait3A_87 = arith.constant 1 : i32
        %dma_wait3A_88 = arith.constant 0 : i32
        %dma_wait3A_89 = arith.constant 0 : i32
        %dma_wait3A_90 = tpu.memref_slice %arg9[%dma_wait3A_87, %dma_wait3A_88, %dma_wait3A_89] : memref<2x128x128xf32, #tpu.memory_space<vmem>> -> memref<1x128x128xf32, #tpu.memory_space<vmem>>
        %dma_wait3A_91 = tpu.memref_squeeze %dma_wait3A_90 : memref<1x128x128xf32, #tpu.memory_space<vmem>> -> memref<128x128xf32, #tpu.memory_space<vmem>>
        %dma_wait3A_92 = arith.constant 0 : i32
        %dma_wait3A_93 = tpu.memref_slice %arg7[%dma_wait3A_86, %dma_wait3A_92] : memref<2x128xi32, #tpu.memory_space<vmem>> -> memref<1x128xi32, #tpu.memory_space<vmem>>
        %dma_wait3A_94 = tpu.memref_squeeze %dma_wait3A_93 : memref<1x128xi32, #tpu.memory_space<vmem>> -> memref<128xi32, #tpu.memory_space<vmem>>
        %dma_wait3A_95 = arith.constant 0 : i32
        %dma_wait3A_96 = arith.constant 0 : i32
        %dma_wait3A_97 = tpu.memref_slice %arg2[%dma_wait3A_95, %dma_wait3A_96] : memref<10240x128xf32, #tpu.memory_space<hbm>> -> memref<10240x128xf32, #tpu.memory_space<hbm>>
        tpu.wait_indirect_dma semaphore(%arg15 : memref<!tpu.dma_semaphore, #tpu.memory_space<semaphore_mem>>) src(%dma_wait3A_97 : memref<10240x128xf32, #tpu.memory_space<hbm>>) dst(%dma_wait3A_91 : memref<128x128xf32, #tpu.memory_space<vmem>>)
        %run_scoped3A_98 = arith.constant 1 : i32
        %run_scoped3A_99 = arith.constant 1 : i32
        "tpu.region"() ({
          %run_scoped3A_101 = tpu.sem_alloc : memref<!tpu.dma_semaphore, #tpu.memory_space<semaphore_mem>>
          %dma_start3A_102 = arith.constant 0 : i32
          %dma_start3A_103 = arith.constant 0 : i32
          %dma_start3A_104 = tpu.memref_slice %arg9[%run_scoped3A_98, %dma_start3A_102, %dma_start3A_103] : memref<2x128x128xf32, #tpu.memory_space<vmem>> -> memref<1x128x128xf32, #tpu.memory_space<vmem>>
          %dma_start3A_105 = tpu.memref_squeeze %dma_start3A_104 : memref<1x128x128xf32, #tpu.memory_space<vmem>> -> memref<128x128xf32, #tpu.memory_space<vmem>>
          %dma_start3A_106 = arith.constant 0 : i32
          %dma_start3A_107 = tpu.memref_slice %arg8[%run_scoped3A_99, %dma_start3A_106] : memref<2x128xi32, #tpu.memory_space<vmem>> -> memref<1x128xi32, #tpu.memory_space<vmem>>
          %dma_start3A_108 = tpu.memref_squeeze %dma_start3A_107 : memref<1x128xi32, #tpu.memory_space<vmem>> -> memref<128xi32, #tpu.memory_space<vmem>>
          %dma_start3A_109 = arith.constant 0 : i32
          %dma_start3A_110 = arith.constant 0 : i32
          %dma_start3A_111 = tpu.memref_slice %arg13[%dma_start3A_109, %dma_start3A_110] : memref<10240x128xf32, #tpu.memory_space<vmem_shared>> -> memref<10240x128xf32, #tpu.memory_space<vmem_shared>>
          tpu.enqueue_indirect_dma source(%dma_start3A_105 : memref<128x128xf32, #tpu.memory_space<vmem>>) target(%dma_start3A_111 : memref<10240x128xf32, #tpu.memory_space<vmem_shared>>) offsets(%dma_start3A_108 : memref<128xi32, #tpu.memory_space<vmem>>) semaphore(%run_scoped3A_101 : memref<!tpu.dma_semaphore, #tpu.memory_space<semaphore_mem>>) {add = true}
          %dma_wait3A_112 = arith.constant 0 : i32
          %dma_wait3A_113 = arith.constant 0 : i32
          %dma_wait3A_114 = tpu.memref_slice %arg9[%run_scoped3A_98, %dma_wait3A_112, %dma_wait3A_113] : memref<2x128x128xf32, #tpu.memory_space<vmem>> -> memref<1x128x128xf32, #tpu.memory_space<vmem>>
          %dma_wait3A_115 = tpu.memref_squeeze %dma_wait3A_114 : memref<1x128x128xf32, #tpu.memory_space<vmem>> -> memref<128x128xf32, #tpu.memory_space<vmem>>
          %dma_wait3A_116 = arith.constant 0 : i32
          %dma_wait3A_117 = tpu.memref_slice %arg8[%run_scoped3A_99, %dma_wait3A_116] : memref<2x128xi32, #tpu.memory_space<vmem>> -> memref<1x128xi32, #tpu.memory_space<vmem>>
          %dma_wait3A_118 = tpu.memref_squeeze %dma_wait3A_117 : memref<1x128xi32, #tpu.memory_space<vmem>> -> memref<128xi32, #tpu.memory_space<vmem>>
          %dma_wait3A_119 = arith.constant 0 : i32
          %dma_wait3A_120 = arith.constant 0 : i32
          %dma_wait3A_121 = tpu.memref_slice %arg13[%dma_wait3A_119, %dma_wait3A_120] : memref<10240x128xf32, #tpu.memory_space<vmem_shared>> -> memref<10240x128xf32, #tpu.memory_space<vmem_shared>>
          tpu.wait_indirect_dma semaphore(%run_scoped3A_101 : memref<!tpu.dma_semaphore, #tpu.memory_space<semaphore_mem>>) src(%dma_wait3A_115 : memref<128x128xf32, #tpu.memory_space<vmem>>) dst(%dma_wait3A_121 : memref<10240x128xf32, #tpu.memory_space<vmem_shared>>)
          tpu.yield
        }) : () -> ()
        %scan3A_100 = arith.constant 0 : i32
        scf.yield %scan3A_100 : i32
      }
      %scan3A_50 = arith.constant 40 : i32
    } else {
    }
    %eq3A_19 = arith.constant 1 : i32
    %eq3A_20 = arith.cmpi eq, %arg0, %eq3A_19 : i32
    %convert_element_type3A_21 = arith.extui %eq3A_20 : i1 to i32
    %cond3A_22 = arith.constant 0 : i32
    %cond3A_23 = arith.cmpi ne, %convert_element_type3A_21, %cond3A_22 : i32
    scf.if %cond3A_23 {
      %scan3A_32 = arith.constant 0 : i32
      %scan3A_33 = arith.constant 0 : i32
      %scan3A_34 = arith.constant 64 : i32
      %scan3A_35 = arith.addi %scan3A_33, %scan3A_34 : i32
      %scan3A_36 = arith.constant 1 : i32
      %scan3A_37 = scf.for %scan3A_46 = %scan3A_33 to %scan3A_35 step %scan3A_36 iter_args(%scan3A_47 = %scan3A_32) -> (i32)  : i32 {
        %swap3A = arith.constant 0 : i32
        %swap3A_48 = arith.index_cast %swap3A : i32 to index
        %swap3A_49 = arith.index_cast %scan3A_46 : i32 to index
        %swap3A_50 = arith.constant 0 : index
        %swap3A_51 = tpu.vector_load %arg9[%swap3A_48, %swap3A_49, %swap3A_50] {strides = array<i32>} : memref<2x128x128xf32, #tpu.memory_space<vmem>>, vector<1x1x16xf32>,
        %swap3A_52 = vector.shape_cast %swap3A_51 : vector<1x1x16xf32> to vector<16xf32>
        %swap3A_53 = vector.shape_cast %broadcast_in_dim3A_0 : vector<16xf32> to vector<1x1x16xf32>
        tpu.vector_store %arg9[%swap3A_48, %swap3A_49, %swap3A_50], %swap3A_53 {strides = array<i32>} : memref<2x128x128xf32, #tpu.memory_space<vmem>>, vector<1x1x16xf32>,
        %swap3A_54 = arith.constant 0 : i32
        %swap3A_55 = arith.index_cast %swap3A_54 : i32 to index
        %swap3A_56 = arith.index_cast %scan3A_46 : i32 to index
        %swap3A_57 = arith.constant 16 : index
        %swap3A_58 = tpu.vector_load %arg9[%swap3A_55, %swap3A_56, %swap3A_57] {strides = array<i32>} : memref<2x128x128xf32, #tpu.memory_space<vmem>>, vector<1x1x16xf32>,
        %swap3A_59 = vector.shape_cast %swap3A_58 : vector<1x1x16xf32> to vector<16xf32>
        %swap3A_60 = vector.shape_cast %broadcast_in_dim3A_0 : vector<16xf32> to vector<1x1x16xf32>
        tpu.vector_store %arg9[%swap3A_55, %swap3A_56, %swap3A_57], %swap3A_60 {strides = array<i32>} : memref<2x128x128xf32, #tpu.memory_space<vmem>>, vector<1x1x16xf32>,
        %swap3A_61 = arith.constant 0 : i32
        %swap3A_62 = arith.index_cast %swap3A_61 : i32 to index
        %swap3A_63 = arith.index_cast %scan3A_46 : i32 to index
        %swap3A_64 = arith.constant 32 : index
        %swap3A_65 = tpu.vector_load %arg9[%swap3A_62, %swap3A_63, %swap3A_64] {strides = array<i32>} : memref<2x128x128xf32, #tpu.memory_space<vmem>>, vector<1x1x16xf32>,
        %swap3A_66 = vector.shape_cast %swap3A_65 : vector<1x1x16xf32> to vector<16xf32>
        %swap3A_67 = vector.shape_cast %broadcast_in_dim3A_0 : vector<16xf32> to vector<1x1x16xf32>
        tpu.vector_store %arg9[%swap3A_62, %swap3A_63, %swap3A_64], %swap3A_67 {strides = array<i32>} : memref<2x128x128xf32, #tpu.memory_space<vmem>>, vector<1x1x16xf32>,
        %swap3A_68 = arith.constant 0 : i32
        %swap3A_69 = arith.index_cast %swap3A_68 : i32 to index
        %swap3A_70 = arith.index_cast %scan3A_46 : i32 to index
        %swap3A_71 = arith.constant 48 : index
        %swap3A_72 = tpu.vector_load %arg9[%swap3A_69, %swap3A_70, %swap3A_71] {strides = array<i32>} : memref<2x128x128xf32, #tpu.memory_space<vmem>>, vector<1x1x16xf32>,
        %swap3A_73 = vector.shape_cast %swap3A_72 : vector<1x1x16xf32> to vector<16xf32>
        %swap3A_74 = vector.shape_cast %broadcast_in_dim3A_0 : vector<16xf32> to vector<1x1x16xf32>
        tpu.vector_store %arg9[%swap3A_69, %swap3A_70, %swap3A_71], %swap3A_74 {strides = array<i32>} : memref<2x128x128xf32, #tpu.memory_space<vmem>>, vector<1x1x16xf32>,
        %swap3A_75 = arith.constant 0 : i32
        %swap3A_76 = arith.index_cast %swap3A_75 : i32 to index
        %swap3A_77 = arith.index_cast %scan3A_46 : i32 to index
        %swap3A_78 = arith.constant 64 : index
        %swap3A_79 = tpu.vector_load %arg9[%swap3A_76, %swap3A_77, %swap3A_78] {strides = array<i32>} : memref<2x128x128xf32, #tpu.memory_space<vmem>>, vector<1x1x16xf32>,
        %swap3A_80 = vector.shape_cast %swap3A_79 : vector<1x1x16xf32> to vector<16xf32>
        %swap3A_81 = vector.shape_cast %broadcast_in_dim3A_0 : vector<16xf32> to vector<1x1x16xf32>
        tpu.vector_store %arg9[%swap3A_76, %swap3A_77, %swap3A_78], %swap3A_81 {strides = array<i32>} : memref<2x128x128xf32, #tpu.memory_space<vmem>>, vector<1x1x16xf32>,
        %swap3A_82 = arith.constant 0 : i32
        %swap3A_83 = arith.index_cast %swap3A_82 : i32 to index
        %swap3A_84 = arith.index_cast %scan3A_46 : i32 to index
        %swap3A_85 = arith.constant 80 : index
        %swap3A_86 = tpu.vector_load %arg9[%swap3A_83, %swap3A_84, %swap3A_85] {strides = array<i32>} : memref<2x128x128xf32, #tpu.memory_space<vmem>>, vector<1x1x16xf32>,
        %swap3A_87 = vector.shape_cast %swap3A_86 : vector<1x1x16xf32> to vector<16xf32>
        %swap3A_88 = vector.shape_cast %broadcast_in_dim3A_0 : vector<16xf32> to vector<1x1x16xf32>
        tpu.vector_store %arg9[%swap3A_83, %swap3A_84, %swap3A_85], %swap3A_88 {strides = array<i32>} : memref<2x128x128xf32, #tpu.memory_space<vmem>>, vector<1x1x16xf32>,
        %swap3A_89 = arith.constant 0 : i32
        %swap3A_90 = arith.index_cast %swap3A_89 : i32 to index
        %swap3A_91 = arith.index_cast %scan3A_46 : i32 to index
        %swap3A_92 = arith.constant 96 : index
        %swap3A_93 = tpu.vector_load %arg9[%swap3A_90, %swap3A_91, %swap3A_92] {strides = array<i32>} : memref<2x128x128xf32, #tpu.memory_space<vmem>>, vector<1x1x16xf32>,
        %swap3A_94 = vector.shape_cast %swap3A_93 : vector<1x1x16xf32> to vector<16xf32>
        %swap3A_95 = vector.shape_cast %broadcast_in_dim3A_0 : vector<16xf32> to vector<1x1x16xf32>
        tpu.vector_store %arg9[%swap3A_90, %swap3A_91, %swap3A_92], %swap3A_95 {strides = array<i32>} : memref<2x128x128xf32, #tpu.memory_space<vmem>>, vector<1x1x16xf32>,
        %swap3A_96 = arith.constant 0 : i32
        %swap3A_97 = arith.index_cast %swap3A_96 : i32 to index
        %swap3A_98 = arith.index_cast %scan3A_46 : i32 to index
        %swap3A_99 = arith.constant 112 : index
        %swap3A_100 = tpu.vector_load %arg9[%swap3A_97, %swap3A_98, %swap3A_99] {strides = array<i32>} : memref<2x128x128xf32, #tpu.memory_space<vmem>>, vector<1x1x16xf32>,
        %swap3A_101 = vector.shape_cast %swap3A_100 : vector<1x1x16xf32> to vector<16xf32>
        %swap3A_102 = vector.shape_cast %broadcast_in_dim3A_0 : vector<16xf32> to vector<1x1x16xf32>
        tpu.vector_store %arg9[%swap3A_97, %swap3A_98, %swap3A_99], %swap3A_102 {strides = array<i32>} : memref<2x128x128xf32, #tpu.memory_space<vmem>>, vector<1x1x16xf32>,
        %scan3A_103 = arith.constant 0 : i32
        scf.yield %scan3A_103 : i32
      }
      %scan3A_38 = arith.constant 64 : i32
      %scan3A_39 = arith.constant 0 : i32
      %scan3A_40 = arith.constant 0 : i32
      %scan3A_41 = arith.constant 160 : i32
      %scan3A_42 = arith.addi %scan3A_40, %scan3A_41 : i32
      %scan3A_43 = arith.constant 1 : i32
      %scan3A_44 = scf.for %scan3A_46 = %scan3A_40 to %scan3A_42 step %scan3A_43 iter_args(%scan3A_47 = %scan3A_39) -> (i32)  : i32 {
        %mul3A_48 = arith.constant 64 : i32
        %mul3A_49 = arith.muli %scan3A_46, %mul3A_48 : i32
        %add3A = arith.addi %mul3A_16, %mul3A_49 : i32
        "tpu.region"() ({
          %run_scoped3A_58 = tpu.sem_alloc : memref<!tpu.dma_semaphore, #tpu.memory_space<semaphore_mem>>
          %dma_start3A = tpu.memref_slice %arg5[%add3A] : memref<163840xi32, #tpu.memory_space<hbm>> -> memref<64xi32, #tpu.memory_space<hbm>>
          %dma_start3A_59 = tpu.memref_slice %arg5[%add3A] : memref<163840xi32, #tpu.memory_space<hbm>> -> memref<64xi32, #tpu.memory_space<hbm>>
          tpu.enqueue_dma source(%dma_start3A_59 : memref<64xi32, #tpu.memory_space<hbm>>) target(%arg11 : memref<64xi32, #tpu.memory_space<vmem>>) target_semaphore(%run_scoped3A_58 : memref<!tpu.dma_semaphore, #tpu.memory_space<semaphore_mem>>)
          %dma_wait3A = tpu.memref_slice %arg5[%add3A] : memref<163840xi32, #tpu.memory_space<hbm>> -> memref<64xi32, #tpu.memory_space<hbm>>
          %dma_wait3A_60 = tpu.memref_slice %arg5[%add3A] : memref<163840xi32, #tpu.memory_space<hbm>> -> memref<64xi32, #tpu.memory_space<hbm>>
          tpu.wait_dma2 semaphore(%run_scoped3A_58 : memref<!tpu.dma_semaphore, #tpu.memory_space<semaphore_mem>>) src(%dma_wait3A_60 : memref<64xi32, #tpu.memory_space<hbm>>) dst(%arg11 : memref<64xi32, #tpu.memory_space<vmem>>)
          tpu.yield
        }) : () -> ()
        "tpu.region"() ({
          %run_scoped3A_58 = tpu.sem_alloc : memref<!tpu.dma_semaphore, #tpu.memory_space<semaphore_mem>>
          %dma_start3A = arith.constant 0 : i32
          %dma_start3A_59 = tpu.memref_slice %arg3[%add3A, %dma_start3A] : memref<163840x16xf32, #tpu.memory_space<hbm>> -> memref<64x16xf32, #tpu.memory_space<hbm>>
          %dma_start3A_60 = arith.constant 0 : i32
          %dma_start3A_61 = tpu.memref_slice %arg3[%add3A, %dma_start3A_60] : memref<163840x16xf32, #tpu.memory_space<hbm>> -> memref<64x16xf32, #tpu.memory_space<hbm>>
          tpu.enqueue_dma source(%dma_start3A_61 : memref<64x16xf32, #tpu.memory_space<hbm>>) target(%arg10 : memref<64x16xf32, #tpu.memory_space<vmem>>) target_semaphore(%run_scoped3A_58 : memref<!tpu.dma_semaphore, #tpu.memory_space<semaphore_mem>>)
          %dma_wait3A = arith.constant 0 : i32
          %dma_wait3A_62 = tpu.memref_slice %arg3[%add3A, %dma_wait3A] : memref<163840x16xf32, #tpu.memory_space<hbm>> -> memref<64x16xf32, #tpu.memory_space<hbm>>
          %dma_wait3A_63 = arith.constant 0 : i32
          %dma_wait3A_64 = tpu.memref_slice %arg3[%add3A, %dma_wait3A_63] : memref<163840x16xf32, #tpu.memory_space<hbm>> -> memref<64x16xf32, #tpu.memory_space<hbm>>
          tpu.wait_dma2 semaphore(%run_scoped3A_58 : memref<!tpu.dma_semaphore, #tpu.memory_space<semaphore_mem>>) src(%dma_wait3A_64 : memref<64x16xf32, #tpu.memory_space<hbm>>) dst(%arg10 : memref<64x16xf32, #tpu.memory_space<vmem>>)
          tpu.yield
        }) : () -> ()
        %scan3A_50 = arith.constant 0 : i32
        %scan3A_51 = arith.constant 0 : i32
        %scan3A_52 = arith.constant 64 : i32
        %scan3A_53 = arith.addi %scan3A_51, %scan3A_52 : i32
        %scan3A_54 = arith.constant 1 : i32
        %scan3A_55 = scf.for %scan3A_58 = %scan3A_51 to %scan3A_53 step %scan3A_54 iter_args(%scan3A_59 = %scan3A_50) -> (i32)  : i32 {
          %get3A = arith.index_cast %scan3A_58 : i32 to index
          %get3A_60 = arith.constant 0 : index
          %get3A_61 = tpu.vector_load %arg10[%get3A, %get3A_60] {strides = array<i32>} : memref<64x16xf32, #tpu.memory_space<vmem>>, vector<1x16xf32>,
          %get3A_62 = vector.shape_cast %get3A_61 : vector<1x16xf32> to vector<16xf32>
          %swap3A = arith.constant 0 : i32
          %swap3A_63 = arith.index_cast %swap3A : i32 to index
          %swap3A_64 = arith.index_cast %scan3A_58 : i32 to index
          %swap3A_65 = arith.constant 0 : index
          %swap3A_66 = tpu.vector_load %arg9[%swap3A_63, %swap3A_64, %swap3A_65] {strides = array<i32>} : memref<2x128x128xf32, #tpu.memory_space<vmem>>, vector<1x1x16xf32>,
          %swap3A_67 = vector.shape_cast %swap3A_66 : vector<1x1x16xf32> to vector<16xf32>
          %swap3A_68 = vector.shape_cast %get3A_62 : vector<16xf32> to vector<1x1x16xf32>
          tpu.vector_store %arg9[%swap3A_63, %swap3A_64, %swap3A_65], %swap3A_68 {strides = array<i32>} : memref<2x128x128xf32, #tpu.memory_space<vmem>>, vector<1x1x16xf32>,
          %scan3A_69 = arith.constant 0 : i32
          scf.yield %scan3A_69 : i32
        }
        %scan3A_56 = arith.constant 64 : i32
        %run_scoped3A = arith.constant 0 : i32
        "tpu.region"() ({
          %run_scoped3A_58 = tpu.sem_alloc : memref<!tpu.dma_semaphore, #tpu.memory_space<semaphore_mem>>
          %dma_start3A = arith.constant 0 : i32
          %dma_start3A_59 = arith.constant 0 : i32
          %dma_start3A_60 = tpu.memref_slice %arg9[%run_scoped3A, %dma_start3A, %dma_start3A_59] : memref<2x128x128xf32, #tpu.memory_space<vmem>> -> memref<1x64x128xf32, #tpu.memory_space<vmem>>
          %dma_start3A_61 = tpu.memref_squeeze %dma_start3A_60 : memref<1x64x128xf32, #tpu.memory_space<vmem>> -> memref<64x128xf32, #tpu.memory_space<vmem>>
          %dma_start3A_62 = arith.constant 0 : i32
          %dma_start3A_63 = arith.constant 0 : i32
          %dma_start3A_64 = tpu.memref_slice %arg13[%dma_start3A_62, %dma_start3A_63] : memref<10240x128xf32, #tpu.memory_space<vmem_shared>> -> memref<10240x128xf32, #tpu.memory_space<vmem_shared>>
          tpu.enqueue_indirect_dma source(%dma_start3A_61 : memref<64x128xf32, #tpu.memory_space<vmem>>) target(%dma_start3A_64 : memref<10240x128xf32, #tpu.memory_space<vmem_shared>>) offsets(%arg11 : memref<64xi32, #tpu.memory_space<vmem>>) semaphore(%run_scoped3A_58 : memref<!tpu.dma_semaphore, #tpu.memory_space<semaphore_mem>>) {add = true}
          %dma_wait3A = arith.constant 0 : i32
          %dma_wait3A_65 = arith.constant 0 : i32
          %dma_wait3A_66 = tpu.memref_slice %arg9[%run_scoped3A, %dma_wait3A, %dma_wait3A_65] : memref<2x128x128xf32, #tpu.memory_space<vmem>> -> memref<1x64x128xf32, #tpu.memory_space<vmem>>
          %dma_wait3A_67 = tpu.memref_squeeze %dma_wait3A_66 : memref<1x64x128xf32, #tpu.memory_space<vmem>> -> memref<64x128xf32, #tpu.memory_space<vmem>>
          %dma_wait3A_68 = arith.constant 0 : i32
          %dma_wait3A_69 = arith.constant 0 : i32
          %dma_wait3A_70 = tpu.memref_slice %arg13[%dma_wait3A_68, %dma_wait3A_69] : memref<10240x128xf32, #tpu.memory_space<vmem_shared>> -> memref<10240x128xf32, #tpu.memory_space<vmem_shared>>
          tpu.wait_indirect_dma semaphore(%run_scoped3A_58 : memref<!tpu.dma_semaphore, #tpu.memory_space<semaphore_mem>>) src(%dma_wait3A_67 : memref<64x128xf32, #tpu.memory_space<vmem>>) dst(%dma_wait3A_70 : memref<10240x128xf32, #tpu.memory_space<vmem_shared>>)
          tpu.yield
        }) : () -> ()
        %scan3A_57 = arith.constant 0 : i32
        scf.yield %scan3A_57 : i32
      }
      %scan3A_45 = arith.constant 160 : i32
    } else {
    }
    %barrier3A_24 = arith.constant 0 : index
    tpu.barrier barrier_id(%barrier3A_24)
    %scan3A_25 = arith.constant 0 : i32
    %scan3A_26 = arith.constant 0 : i32
    %scan3A_27 = arith.constant 20 : i32
    %scan3A_28 = arith.addi %scan3A_26, %scan3A_27 : i32
    %scan3A_29 = arith.constant 1 : i32
    %scan3A_30 = scf.for %scan3A_32 = %scan3A_26 to %scan3A_28 step %scan3A_29 iter_args(%scan3A_33 = %scan3A_25) -> (i32)  : i32 {
      %mul3A_34 = arith.constant 32 : i32
      %mul3A_35 = arith.muli %scan3A_32, %mul3A_34 : i32
      %add3A = arith.addi %mul3A_7, %mul3A_35 : i32
      "tpu.region"() ({
        %run_scoped3A = tpu.sem_alloc : memref<!tpu.dma_semaphore, #tpu.memory_space<semaphore_mem>>
        %dma_start3A = arith.constant 0 : i32
        %dma_start3A_37 = tpu.memref_slice %arg13[%add3A, %dma_start3A] : memref<10240x128xf32, #tpu.memory_space<vmem_shared>> -> memref<32x128xf32, #tpu.memory_space<vmem_shared>>
        %dma_start3A_38 = arith.constant 0 : i32
        %dma_start3A_39 = tpu.memref_slice %arg13[%add3A, %dma_start3A_38] : memref<10240x128xf32, #tpu.memory_space<vmem_shared>> -> memref<32x128xf32, #tpu.memory_space<vmem_shared>>
        tpu.enqueue_dma source(%dma_start3A_39 : memref<32x128xf32, #tpu.memory_space<vmem_shared>>) target(%arg12 : memref<32x128xf32, #tpu.memory_space<vmem>>) target_semaphore(%run_scoped3A : memref<!tpu.dma_semaphore, #tpu.memory_space<semaphore_mem>>)
        %dma_wait3A = arith.constant 0 : i32
        %dma_wait3A_40 = tpu.memref_slice %arg13[%add3A, %dma_wait3A] : memref<10240x128xf32, #tpu.memory_space<vmem_shared>> -> memref<32x128xf32, #tpu.memory_space<vmem_shared>>
        %dma_wait3A_41 = arith.constant 0 : i32
        %dma_wait3A_42 = tpu.memref_slice %arg13[%add3A, %dma_wait3A_41] : memref<10240x128xf32, #tpu.memory_space<vmem_shared>> -> memref<32x128xf32, #tpu.memory_space<vmem_shared>>
        tpu.wait_dma2 semaphore(%run_scoped3A : memref<!tpu.dma_semaphore, #tpu.memory_space<semaphore_mem>>) src(%dma_wait3A_42 : memref<32x128xf32, #tpu.memory_space<vmem_shared>>) dst(%arg12 : memref<32x128xf32, #tpu.memory_space<vmem>>)
        tpu.yield
      }) : () -> ()
      "tpu.region"() ({
        %run_scoped3A = tpu.sem_alloc : memref<!tpu.dma_semaphore, #tpu.memory_space<semaphore_mem>>
        %dma_start3A = arith.constant 0 : i32
        %dma_start3A_37 = tpu.memref_slice %arg6[%arg0, %add3A, %dma_start3A] : memref<2x10240x128xf32, #tpu.memory_space<hbm>> -> memref<1x32x128xf32, #tpu.memory_space<hbm>>
        %dma_start3A_38 = tpu.memref_squeeze %dma_start3A_37 : memref<1x32x128xf32, #tpu.memory_space<hbm>> -> memref<32x128xf32, #tpu.memory_space<hbm>>
        %dma_start3A_39 = arith.constant 0 : i32
        %dma_start3A_40 = tpu.memref_slice %arg6[%arg0, %add3A, %dma_start3A_39] : memref<2x10240x128xf32, #tpu.memory_space<hbm>> -> memref<1x32x128xf32, #tpu.memory_space<hbm>>
        %dma_start3A_41 = tpu.memref_squeeze %dma_start3A_40 : memref<1x32x128xf32, #tpu.memory_space<hbm>> -> memref<32x128xf32, #tpu.memory_space<hbm>>
        tpu.enqueue_dma source(%arg12 : memref<32x128xf32, #tpu.memory_space<vmem>>) target(%dma_start3A_41 : memref<32x128xf32, #tpu.memory_space<hbm>>) target_semaphore(%run_scoped3A : memref<!tpu.dma_semaphore, #tpu.memory_space<semaphore_mem>>)
        %dma_wait3A = arith.constant 0 : i32
        %dma_wait3A_42 = tpu.memref_slice %arg6[%arg0, %add3A, %dma_wait3A] : memref<2x10240x128xf32, #tpu.memory_space<hbm>> -> memref<1x32x128xf32, #tpu.memory_space<hbm>>
        %dma_wait3A_43 = tpu.memref_squeeze %dma_wait3A_42 : memref<1x32x128xf32, #tpu.memory_space<hbm>> -> memref<32x128xf32, #tpu.memory_space<hbm>>
        %dma_wait3A_44 = arith.constant 0 : i32
        %dma_wait3A_45 = tpu.memref_slice %arg6[%arg0, %add3A, %dma_wait3A_44] : memref<2x10240x128xf32, #tpu.memory_space<hbm>> -> memref<1x32x128xf32, #tpu.memory_space<hbm>>
        %dma_wait3A_46 = tpu.memref_squeeze %dma_wait3A_45 : memref<1x32x128xf32, #tpu.memory_space<hbm>> -> memref<32x128xf32, #tpu.memory_space<hbm>>
        tpu.wait_dma2 semaphore(%run_scoped3A : memref<!tpu.dma_semaphore, #tpu.memory_space<semaphore_mem>>) src(%arg12 : memref<32x128xf32, #tpu.memory_space<vmem>>) dst(%dma_wait3A_46 : memref<32x128xf32, #tpu.memory_space<hbm>>)
        tpu.yield
      }) : () -> ()
      %scan3A_36 = arith.constant 0 : i32
      scf.yield %scan3A_36 : i32
    }
    %scan3A_31 = arith.constant 20 : i32
    return
  }
}

module attributes {stable_mosaic.version = 14 : i64} {
  func.func @_fp1b_body(%arg0: memref<256x2513xf32, #tpu.memory_space<vmem>>, %arg1: memref<2513x1536xf32, #tpu.memory_space<vmem>>, %arg2: memref<2513x1536xf32, #tpu.memory_space<vmem>>, %arg3: memref<2513x128xf32, #tpu.memory_space<vmem>>, %arg4: memref<256x3200xf32, #tpu.memory_space<vmem>>) attributes {dimension_semantics = [], scalar_prefetch = 0 : i64, scratch_operands = 0 : i64, tpu.core_type = #tpu.core_type<tc>} {
    %get3A = arith.constant 0 : index
    %get3A_0 = arith.constant 0 : index
    %get3A_1 = vector.load %arg0[%get3A, %get3A_0] : memref<256x2513xf32, #tpu.memory_space<vmem>>, vector<256x2513xf32>
    %get3A_2 = arith.constant 0 : index
    %get3A_3 = arith.constant 0 : index
    %get3A_4 = vector.load %arg1[%get3A_2, %get3A_3] : memref<2513x1536xf32, #tpu.memory_space<vmem>>, vector<2513x1536xf32>
    %dot_general3A = arith.constant dense<0.000000e+00> : vector<256x1536xf32>
    %dot_general3A_5 = tpu.matmul %get3A_1, %get3A_4, %dot_general3A {dimension_numbers = #tpu.dot_dimension_numbers<[1], [0], [0], [1], [0, 0, 1, 1], [], []>, transpose_lhs_hint = false} : vector<256x2513xf32>, vector<2513x1536xf32>, vector<256x1536xf32> -> vector<256x1536xf32>
    %swap3A = arith.constant 0 : index
    %swap3A_6 = arith.constant 0 : index
    %swap3A_7 = vector.load %arg4[%swap3A, %swap3A_6] : memref<256x3200xf32, #tpu.memory_space<vmem>>, vector<256x1536xf32>
    tpu.vector_store %arg4[%swap3A, %swap3A_6], %dot_general3A_5 {strides = array<i32>} : memref<256x3200xf32, #tpu.memory_space<vmem>>, vector<256x1536xf32>,
    %get3A_8 = arith.constant 0 : index
    %get3A_9 = arith.constant 0 : index
    %get3A_10 = vector.load %arg2[%get3A_8, %get3A_9] : memref<2513x1536xf32, #tpu.memory_space<vmem>>, vector<2513x1536xf32>
    %dot_general3A_11 = arith.constant dense<0.000000e+00> : vector<256x1536xf32>
    %dot_general3A_12 = tpu.matmul %get3A_1, %get3A_10, %dot_general3A_11 {dimension_numbers = #tpu.dot_dimension_numbers<[1], [0], [0], [1], [0, 0, 1, 1], [], []>, transpose_lhs_hint = false} : vector<256x2513xf32>, vector<2513x1536xf32>, vector<256x1536xf32> -> vector<256x1536xf32>
    %swap3A_13 = arith.constant 0 : index
    %swap3A_14 = arith.constant 1536 : index
    %swap3A_15 = vector.load %arg4[%swap3A_13, %swap3A_14] : memref<256x3200xf32, #tpu.memory_space<vmem>>, vector<256x1536xf32>
    tpu.vector_store %arg4[%swap3A_13, %swap3A_14], %dot_general3A_12 {strides = array<i32>} : memref<256x3200xf32, #tpu.memory_space<vmem>>, vector<256x1536xf32>,
    %get3A_16 = arith.constant 0 : index
    %get3A_17 = arith.constant 0 : index
    %get3A_18 = vector.load %arg3[%get3A_16, %get3A_17] : memref<2513x128xf32, #tpu.memory_space<vmem>>, vector<2513x128xf32>
    %dot_general3A_19 = arith.constant dense<0.000000e+00> : vector<256x128xf32>
    %dot_general3A_20 = tpu.matmul %get3A_1, %get3A_18, %dot_general3A_19 {dimension_numbers = #tpu.dot_dimension_numbers<[1], [0], [0], [1], [0, 0, 1, 1], [], []>, transpose_lhs_hint = false} : vector<256x2513xf32>, vector<2513x128xf32>, vector<256x128xf32> -> vector<256x128xf32>
    %swap3A_21 = arith.constant 0 : index
    %swap3A_22 = arith.constant 3072 : index
    %swap3A_23 = vector.load %arg4[%swap3A_21, %swap3A_22] : memref<256x3200xf32, #tpu.memory_space<vmem>>, vector<256x128xf32>
    tpu.vector_store %arg4[%swap3A_21, %swap3A_22], %dot_general3A_20 {strides = array<i32>} : memref<256x3200xf32, #tpu.memory_space<vmem>>, vector<256x128xf32>,
    return
  }
}

module attributes {stable_mosaic.version = 14 : i64} {
  func.func @_fp1a_body(%arg0: memref<256x2513xf32, #tpu.memory_space<vmem>>, %arg1: memref<2513x512xf32, #tpu.memory_space<vmem>>, %arg2: memref<2513x512xf32, #tpu.memory_space<vmem>>, %arg3: memref<2513x512xf32, #tpu.memory_space<vmem>>, %arg4: memref<2513x1024xf32, #tpu.memory_space<vmem>>, %arg5: memref<2513x1024xf32, #tpu.memory_space<vmem>>, %arg6: memref<256x3584xf32, #tpu.memory_space<vmem>>) attributes {dimension_semantics = [], scalar_prefetch = 0 : i64, scratch_operands = 0 : i64, tpu.core_type = #tpu.core_type<tc>} {
    %get3A = arith.constant 0 : index
    %get3A_0 = arith.constant 0 : index
    %get3A_1 = vector.load %arg0[%get3A, %get3A_0] : memref<256x2513xf32, #tpu.memory_space<vmem>>, vector<256x2513xf32>
    %get3A_2 = arith.constant 0 : index
    %get3A_3 = arith.constant 0 : index
    %get3A_4 = vector.load %arg1[%get3A_2, %get3A_3] : memref<2513x512xf32, #tpu.memory_space<vmem>>, vector<2513x512xf32>
    %dot_general3A = arith.constant dense<0.000000e+00> : vector<256x512xf32>
    %dot_general3A_5 = tpu.matmul %get3A_1, %get3A_4, %dot_general3A {dimension_numbers = #tpu.dot_dimension_numbers<[1], [0], [0], [1], [0, 0, 1, 1], [], []>, transpose_lhs_hint = false} : vector<256x2513xf32>, vector<2513x512xf32>, vector<256x512xf32> -> vector<256x512xf32>
    %swap3A = arith.constant 0 : index
    %swap3A_6 = arith.constant 0 : index
    %swap3A_7 = vector.load %arg6[%swap3A, %swap3A_6] : memref<256x3584xf32, #tpu.memory_space<vmem>>, vector<256x512xf32>
    tpu.vector_store %arg6[%swap3A, %swap3A_6], %dot_general3A_5 {strides = array<i32>} : memref<256x3584xf32, #tpu.memory_space<vmem>>, vector<256x512xf32>,
    %get3A_8 = arith.constant 0 : index
    %get3A_9 = arith.constant 0 : index
    %get3A_10 = vector.load %arg2[%get3A_8, %get3A_9] : memref<2513x512xf32, #tpu.memory_space<vmem>>, vector<2513x512xf32>
    %dot_general3A_11 = arith.constant dense<0.000000e+00> : vector<256x512xf32>
    %dot_general3A_12 = tpu.matmul %get3A_1, %get3A_10, %dot_general3A_11 {dimension_numbers = #tpu.dot_dimension_numbers<[1], [0], [0], [1], [0, 0, 1, 1], [], []>, transpose_lhs_hint = false} : vector<256x2513xf32>, vector<2513x512xf32>, vector<256x512xf32> -> vector<256x512xf32>
    %swap3A_13 = arith.constant 0 : index
    %swap3A_14 = arith.constant 512 : index
    %swap3A_15 = vector.load %arg6[%swap3A_13, %swap3A_14] : memref<256x3584xf32, #tpu.memory_space<vmem>>, vector<256x512xf32>
    tpu.vector_store %arg6[%swap3A_13, %swap3A_14], %dot_general3A_12 {strides = array<i32>} : memref<256x3584xf32, #tpu.memory_space<vmem>>, vector<256x512xf32>,
    %get3A_16 = arith.constant 0 : index
    %get3A_17 = arith.constant 0 : index
    %get3A_18 = vector.load %arg3[%get3A_16, %get3A_17] : memref<2513x512xf32, #tpu.memory_space<vmem>>, vector<2513x512xf32>
    %dot_general3A_19 = arith.constant dense<0.000000e+00> : vector<256x512xf32>
    %dot_general3A_20 = tpu.matmul %get3A_1, %get3A_18, %dot_general3A_19 {dimension_numbers = #tpu.dot_dimension_numbers<[1], [0], [0], [1], [0, 0, 1, 1], [], []>, transpose_lhs_hint = false} : vector<256x2513xf32>, vector<2513x512xf32>, vector<256x512xf32> -> vector<256x512xf32>
    %swap3A_21 = arith.constant 0 : index
    %swap3A_22 = arith.constant 1024 : index
    %swap3A_23 = vector.load %arg6[%swap3A_21, %swap3A_22] : memref<256x3584xf32, #tpu.memory_space<vmem>>, vector<256x512xf32>
    tpu.vector_store %arg6[%swap3A_21, %swap3A_22], %dot_general3A_20 {strides = array<i32>} : memref<256x3584xf32, #tpu.memory_space<vmem>>, vector<256x512xf32>,
    %get3A_24 = arith.constant 0 : index
    %get3A_25 = arith.constant 0 : index
    %get3A_26 = vector.load %arg4[%get3A_24, %get3A_25] : memref<2513x1024xf32, #tpu.memory_space<vmem>>, vector<2513x1024xf32>
    %dot_general3A_27 = arith.constant dense<0.000000e+00> : vector<256x1024xf32>
    %dot_general3A_28 = tpu.matmul %get3A_1, %get3A_26, %dot_general3A_27 {dimension_numbers = #tpu.dot_dimension_numbers<[1], [0], [0], [1], [0, 0, 1, 1], [], []>, transpose_lhs_hint = false} : vector<256x2513xf32>, vector<2513x1024xf32>, vector<256x1024xf32> -> vector<256x1024xf32>
    %swap3A_29 = arith.constant 0 : index
    %swap3A_30 = arith.constant 1536 : index
    %swap3A_31 = vector.load %arg6[%swap3A_29, %swap3A_30] : memref<256x3584xf32, #tpu.memory_space<vmem>>, vector<256x1024xf32>
    tpu.vector_store %arg6[%swap3A_29, %swap3A_30], %dot_general3A_28 {strides = array<i32>} : memref<256x3584xf32, #tpu.memory_space<vmem>>, vector<256x1024xf32>,
    %get3A_32 = arith.constant 0 : index
    %get3A_33 = arith.constant 0 : index
    %get3A_34 = vector.load %arg5[%get3A_32, %get3A_33] : memref<2513x1024xf32, #tpu.memory_space<vmem>>, vector<2513x1024xf32>
    %dot_general3A_35 = arith.constant dense<0.000000e+00> : vector<256x1024xf32>
    %dot_general3A_36 = tpu.matmul %get3A_1, %get3A_34, %dot_general3A_35 {dimension_numbers = #tpu.dot_dimension_numbers<[1], [0], [0], [1], [0, 0, 1, 1], [], []>, transpose_lhs_hint = false} : vector<256x2513xf32>, vector<2513x1024xf32>, vector<256x1024xf32> -> vector<256x1024xf32>
    %swap3A_37 = arith.constant 0 : index
    %swap3A_38 = arith.constant 2560 : index
    %swap3A_39 = vector.load %arg6[%swap3A_37, %swap3A_38] : memref<256x3584xf32, #tpu.memory_space<vmem>>, vector<256x1024xf32>
    tpu.vector_store %arg6[%swap3A_37, %swap3A_38], %dot_general3A_36 {strides = array<i32>} : memref<256x3584xf32, #tpu.memory_space<vmem>>, vector<256x1024xf32>,
    return
  }
}

module attributes {stable_mosaic.version = 14 : i64} {
  func.func @_dense_segmax_body(%arg0: i32, %arg1: memref<256x128xf32, #tpu.memory_space<vmem>>, %arg2: memref<256x128xf32, #tpu.memory_space<vmem>>, %arg3: memref<256x128xf32, #tpu.memory_space<vmem>>, %arg4: memref<256x128xf32, #tpu.memory_space<vmem>>, %arg5: memref<128x5120xf32, #tpu.memory_space<vmem>>, %arg6: memref<128x5120xf32, #tpu.memory_space<vmem>>, %arg7: memref<16x5120xf32, #tpu.memory_space<vmem>>, %arg8: memref<1x5120xf32, #tpu.memory_space<vmem>>, %arg9: memref<256x5120xf32, #tpu.memory_space<vmem>>, %arg10: memref<256x128xf32, #tpu.memory_space<vmem>>) attributes {dimension_semantics = [#tpu.dimension_semantics<arbitrary>], iteration_bounds = array<i64: 40>, scalar_prefetch = 0 : i64, scratch_operands = 0 : i64, tpu.core_type = #tpu.core_type<tc>, window_params = [{transform_indices = @transform_0, window_bounds = array<i64: 256, 128>}, {transform_indices = @transform_1, window_bounds = array<i64: 256, 128>}, {transform_indices = @transform_2, window_bounds = array<i64: 256, 128>}, {transform_indices = @transform_3, window_bounds = array<i64: 256, 128>}, {pipeline_mode = #tpu.pipeline_mode<synchronous>, transform_indices = @transform_4, window_bounds = array<i64: 128, 5120>}, {pipeline_mode = #tpu.pipeline_mode<synchronous>, transform_indices = @transform_5, window_bounds = array<i64: 128, 5120>}, {pipeline_mode = #tpu.pipeline_mode<synchronous>, transform_indices = @transform_6, window_bounds = array<i64: 16, 5120>}, {pipeline_mode = #tpu.pipeline_mode<synchronous>, transform_indices = @transform_7, window_bounds = array<i64: 1, 5120>}, {pipeline_mode = #tpu.pipeline_mode<synchronous>, transform_indices = @transform_8, window_bounds = array<i64: 256, 5120>}, {pipeline_mode = #tpu.pipeline_mode<synchronous>, transform_indices = @transform_9, window_bounds = array<i64: 256, 128>}]} {
    %eq3A = arith.constant 0 : i32
    %eq3A_0 = arith.cmpi eq, %arg0, %eq3A : i32
    %convert_element_type3A = arith.extui %eq3A_0 : i1 to i32
    %cond3A = arith.constant 0 : i32
    %cond3A_1 = arith.cmpi ne, %convert_element_type3A, %cond3A : i32
    scf.if %cond3A_1 {
      %broadcast_in_dim3A_67 = arith.constant 0xFF800000 : f32
      %broadcast_in_dim3A_68 = vector.broadcast %broadcast_in_dim3A_67 : f32 to vector<256x5120xf32>
      %swap3A = arith.constant 0 : index
      %swap3A_69 = arith.constant 0 : index
      %swap3A_70 = vector.load %arg9[%swap3A, %swap3A_69] : memref<256x5120xf32, #tpu.memory_space<vmem>>, vector<256x5120xf32>
      tpu.vector_store %arg9[%swap3A, %swap3A_69], %broadcast_in_dim3A_68 {strides = array<i32>} : memref<256x5120xf32, #tpu.memory_space<vmem>>, vector<256x5120xf32>,
      %broadcast_in_dim3A_71 = arith.constant 0xFF800000 : f32
      %broadcast_in_dim3A_72 = vector.broadcast %broadcast_in_dim3A_71 : f32 to vector<256x128xf32>
      %swap3A_73 = arith.constant 0 : index
      %swap3A_74 = arith.constant 0 : index
      %swap3A_75 = vector.load %arg10[%swap3A_73, %swap3A_74] : memref<256x128xf32, #tpu.memory_space<vmem>>, vector<256x128xf32>
      tpu.vector_store %arg10[%swap3A_73, %swap3A_74], %broadcast_in_dim3A_72 {strides = array<i32>} : memref<256x128xf32, #tpu.memory_space<vmem>>, vector<256x128xf32>,
    } else {
    }
    %get3A = arith.constant 0 : index
    %get3A_2 = arith.constant 0 : index
    %get3A_3 = vector.load %arg1[%get3A, %get3A_2] : memref<256x128xf32, #tpu.memory_space<vmem>>, vector<256x128xf32>
    %get3A_4 = arith.constant 0 : index
    %get3A_5 = arith.constant 0 : index
    %get3A_6 = vector.load %arg2[%get3A_4, %get3A_5] : memref<256x128xf32, #tpu.memory_space<vmem>>, vector<256x128xf32>
    %get3A_7 = arith.constant 0 : index
    %get3A_8 = arith.constant 0 : index
    %get3A_9 = vector.load %arg3[%get3A_7, %get3A_8] : memref<256x128xf32, #tpu.memory_space<vmem>>, vector<256x128xf32>
    %slice3A = vector.extract_strided_slice %get3A_9 {offsets = [0, 0], sizes = [256, 16], strides = [1, 1]} : vector<256x128xf32> to vector<256x16xf32>
    %get3A_10 = arith.constant 0 : index
    %get3A_11 = arith.constant 0 : index
    %get3A_12 = vector.load %arg5[%get3A_10, %get3A_11] : memref<128x5120xf32, #tpu.memory_space<vmem>>, vector<128x5120xf32>
    %dot_general3A = arith.constant dense<0.000000e+00> : vector<256x5120xf32>
    %dot_general3A_13 = tpu.matmul %get3A_6, %get3A_12, %dot_general3A {dimension_numbers = #tpu.dot_dimension_numbers<[1], [0], [0], [1], [0, 0, 1, 1], [], []>, transpose_lhs_hint = false} : vector<256x128xf32>, vector<128x5120xf32>, vector<256x5120xf32> -> vector<256x5120xf32>
    %get3A_14 = arith.constant 0 : index
    %get3A_15 = arith.constant 0 : index
    %get3A_16 = vector.load %arg6[%get3A_14, %get3A_15] : memref<128x5120xf32, #tpu.memory_space<vmem>>, vector<128x5120xf32>
    %dot_general3A_17 = arith.constant dense<0.000000e+00> : vector<256x5120xf32>
    %dot_general3A_18 = tpu.matmul %get3A_3, %get3A_16, %dot_general3A_17 {dimension_numbers = #tpu.dot_dimension_numbers<[1], [0], [0], [1], [0, 0, 1, 1], [], []>, transpose_lhs_hint = false} : vector<256x128xf32>, vector<128x5120xf32>, vector<256x5120xf32> -> vector<256x5120xf32>
    %add3A = arith.addf %dot_general3A_13, %dot_general3A_18 : vector<256x5120xf32>
    %get3A_19 = arith.constant 0 : index
    %get3A_20 = arith.constant 0 : index
    %get3A_21 = vector.load %arg7[%get3A_19, %get3A_20] : memref<16x5120xf32, #tpu.memory_space<vmem>>, vector<16x5120xf32>
    %dot_general3A_22 = arith.constant dense<0.000000e+00> : vector<256x5120xf32>
    %dot_general3A_23 = tpu.matmul %slice3A, %get3A_21, %dot_general3A_22 {dimension_numbers = #tpu.dot_dimension_numbers<[1], [0], [0], [1], [0, 0, 1, 1], [], []>, transpose_lhs_hint = false} : vector<256x16xf32>, vector<16x5120xf32>, vector<256x5120xf32> -> vector<256x5120xf32>
    %add3A_24 = arith.addf %add3A, %dot_general3A_23 : vector<256x5120xf32>
    %get3A_25 = arith.constant 0 : index
    %get3A_26 = arith.constant 0 : index
    %get3A_27 = vector.load %arg8[%get3A_25, %get3A_26] : memref<1x5120xf32, #tpu.memory_space<vmem>>, vector<1x5120xf32>
    %add3A_28 = vector.broadcast %get3A_27 : vector<1x5120xf32> to vector<256x5120xf32>
    %add3A_29 = arith.addf %add3A_24, %add3A_28 : vector<256x5120xf32>
    %max3A = arith.constant 0.000000e+00 : f32
    %max3A_30 = vector.broadcast %max3A : f32 to vector<256x5120xf32>
    %max3A_31 = arith.maximumf %add3A_29, %max3A_30 : vector<256x5120xf32>
    %get3A_32 = arith.constant 0 : index
    %get3A_33 = arith.constant 0 : index
    %get3A_34 = vector.load %arg4[%get3A_32, %get3A_33] : memref<256x128xf32, #tpu.memory_space<vmem>>, vector<256x1xf32>
    %lt3A = arith.constant 2.560000e+02 : f32
    %lt3A_35 = vector.broadcast %lt3A : f32 to vector<256x1xf32>
    %lt3A_36 = arith.cmpf olt, %get3A_34, %lt3A_35 : vector<256x1xf32>
    %jit3A = arith.constant 0xFF800000 : f32
    %broadcast_in_dim3A = vector.shape_cast %lt3A_36 : vector<256x1xi1> to vector<256x1xi1>
    %broadcast_in_dim3A_37 = vector.broadcast %broadcast_in_dim3A : vector<256x1xi1> to vector<256x5120xi1>
    %broadcast_in_dim3A_38 = vector.broadcast %jit3A : f32 to vector<256x5120xf32>
    %select_n3A = arith.select %broadcast_in_dim3A_37, %max3A_31, %broadcast_in_dim3A_38 : vector<256x5120xi1>, vector<256x5120xf32>
    %jit3A_39 = arith.constant 0xFF800000 : f32
    %broadcast_in_dim3A_40 = vector.shape_cast %lt3A_36 : vector<256x1xi1> to vector<256x1xi1>
    %broadcast_in_dim3A_41 = vector.broadcast %broadcast_in_dim3A_40 : vector<256x1xi1> to vector<256x128xi1>
    %broadcast_in_dim3A_42 = vector.broadcast %jit3A_39 : f32 to vector<256x128xf32>
    %select_n3A_43 = arith.select %broadcast_in_dim3A_41, %get3A_3, %broadcast_in_dim3A_42 : vector<256x128xi1>, vector<256x128xf32>
    %get3A_44 = arith.constant 0 : index
    %get3A_45 = arith.constant 0 : index
    %get3A_46 = vector.load %arg4[%get3A_44, %get3A_45] : memref<256x128xf32, #tpu.memory_space<vmem>>, vector<1x1xf32>
    %get3A_47 = vector.extract %get3A_46[0, 0] : f32 from vector<1x1xf32>
    %get3A_48 = arith.constant 255 : index
    %get3A_49 = arith.constant 0 : index
    %get3A_50 = vector.load %arg4[%get3A_48, %get3A_49] : memref<256x128xf32, #tpu.memory_space<vmem>>, vector<1x1xf32>
    %get3A_51 = vector.extract %get3A_50[0, 0] : f32 from vector<1x1xf32>
    %min3A = arith.constant 2.550000e+02 : f32
    %min3A_52 = arith.minimumf %get3A_51, %min3A : f32
    %sub3A = arith.subf %min3A_52, %get3A_47 : f32
    %convert_element_type3A_53 = arith.fptosi %sub3A : f32 to i32
    %add3A_54 = arith.constant 1 : i32
    %add3A_55 = arith.addi %convert_element_type3A_53, %add3A_54 : i32
    %while3A = arith.constant 0 : i32
    %while3A_56 = arith.constant 0 : i32
    %while3A_57 = arith.subi %add3A_55, %while3A : i32
    %while3A_58 = arith.addi %while3A, %while3A_57 : i32
    %while3A_59 = arith.constant 1 : i32
    %while3A_60 = arith.divsi %while3A_57, %while3A_59 : i32
    %while3A_61 = arith.muli %while3A_60, %while3A_59 : i32
    %while3A_62 = arith.addi %while3A, %while3A_61 : i32
    %while3A_63 = arith.constant 1 : i32
    %while3A_64 = scf.for %while3A_67 = %while3A to %while3A_62 step %while3A_63 iter_args(%while3A_68 = %while3A_56) -> (i32)  : i32 {
      %convert_element_type3A_69 = arith.sitofp %while3A_67 : i32 to f32
      %add3A_70 = arith.addf %get3A_47, %convert_element_type3A_69 : f32
      %convert_element_type3A_71 = arith.fptosi %add3A_70 : f32 to i32
      %eq3A_72 = vector.broadcast %add3A_70 : f32 to vector<256x1xf32>
      %eq3A_73 = arith.cmpf oeq, %get3A_34, %eq3A_72 : vector<256x1xf32>
      %jit3A_74 = arith.constant 0xFF800000 : f32
      %broadcast_in_dim3A_75 = vector.shape_cast %eq3A_73 : vector<256x1xi1> to vector<256x1xi1>
      %broadcast_in_dim3A_76 = vector.broadcast %broadcast_in_dim3A_75 : vector<256x1xi1> to vector<256x5120xi1>
      %broadcast_in_dim3A_77 = vector.broadcast %jit3A_74 : f32 to vector<256x5120xf32>
      %select_n3A_78 = arith.select %broadcast_in_dim3A_76, %select_n3A, %broadcast_in_dim3A_77 : vector<256x5120xi1>, vector<256x5120xf32>
      %reduce_max3A = arith.constant dense<0xFF800000> : vector<5120xf32>
      %reduce_max3A_79 = vector.multi_reduction <maximumf>, %select_n3A_78, %reduce_max3A [0] : vector<256x5120xf32> to vector<5120xf32>
      %broadcast_in_dim3A_80 = vector.shape_cast %reduce_max3A_79 : vector<5120xf32> to vector<1x5120xf32>
      %jit3A_81 = arith.constant 0xFF800000 : f32
      %broadcast_in_dim3A_82 = vector.shape_cast %eq3A_73 : vector<256x1xi1> to vector<256x1xi1>
      %broadcast_in_dim3A_83 = vector.broadcast %broadcast_in_dim3A_82 : vector<256x1xi1> to vector<256x128xi1>
      %broadcast_in_dim3A_84 = vector.broadcast %jit3A_81 : f32 to vector<256x128xf32>
      %select_n3A_85 = arith.select %broadcast_in_dim3A_83, %select_n3A_43, %broadcast_in_dim3A_84 : vector<256x128xi1>, vector<256x128xf32>
      %reduce_max3A_86 = arith.constant dense<0xFF800000> : vector<128xf32>
      %reduce_max3A_87 = vector.multi_reduction <maximumf>, %select_n3A_85, %reduce_max3A_86 [0] : vector<256x128xf32> to vector<128xf32>
      %broadcast_in_dim3A_88 = vector.shape_cast %reduce_max3A_87 : vector<128xf32> to vector<1x128xf32>
      %get3A_89 = arith.index_cast %convert_element_type3A_71 : i32 to index
      %get3A_90 = arith.constant 0 : index
      %get3A_91 = vector.load %arg9[%get3A_89, %get3A_90] : memref<256x5120xf32, #tpu.memory_space<vmem>>, vector<1x5120xf32>
      %max3A_92 = arith.maximumf %get3A_91, %broadcast_in_dim3A_80 : vector<1x5120xf32>
      %swap3A = arith.index_cast %convert_element_type3A_71 : i32 to index
      %swap3A_93 = arith.constant 0 : index
      %swap3A_94 = vector.load %arg9[%swap3A, %swap3A_93] : memref<256x5120xf32, #tpu.memory_space<vmem>>, vector<1x5120xf32>
      tpu.vector_store %arg9[%swap3A, %swap3A_93], %max3A_92 {strides = array<i32>} : memref<256x5120xf32, #tpu.memory_space<vmem>>, vector<1x5120xf32>,
      %get3A_95 = arith.index_cast %convert_element_type3A_71 : i32 to index
      %get3A_96 = arith.constant 0 : index
      %get3A_97 = vector.load %arg10[%get3A_95, %get3A_96] : memref<256x128xf32, #tpu.memory_space<vmem>>, vector<1x128xf32>
      %max3A_98 = arith.maximumf %get3A_97, %broadcast_in_dim3A_88 : vector<1x128xf32>
      %swap3A_99 = arith.index_cast %convert_element_type3A_71 : i32 to index
      %swap3A_100 = arith.constant 0 : index
      %swap3A_101 = vector.load %arg10[%swap3A_99, %swap3A_100] : memref<256x128xf32, #tpu.memory_space<vmem>>, vector<1x128xf32>
      tpu.vector_store %arg10[%swap3A_99, %swap3A_100], %max3A_98 {strides = array<i32>} : memref<256x128xf32, #tpu.memory_space<vmem>>, vector<1x128xf32>,
      %while3A_102 = arith.constant 0 : i32
      scf.yield %while3A_102 : i32
    }
    %while3A_65 = arith.constant 1 : i32
    %while3A_66 = scf.for %while3A_67 = %while3A_62 to %while3A_58 step %while3A_65 iter_args(%while3A_68 = %while3A_64) -> (i32)  : i32 {
      %convert_element_type3A_69 = arith.sitofp %while3A_67 : i32 to f32
      %add3A_70 = arith.addf %get3A_47, %convert_element_type3A_69 : f32
      %convert_element_type3A_71 = arith.fptosi %add3A_70 : f32 to i32
      %eq3A_72 = vector.broadcast %add3A_70 : f32 to vector<256x1xf32>
      %eq3A_73 = arith.cmpf oeq, %get3A_34, %eq3A_72 : vector<256x1xf32>
      %jit3A_74 = arith.constant 0xFF800000 : f32
      %broadcast_in_dim3A_75 = vector.shape_cast %eq3A_73 : vector<256x1xi1> to vector<256x1xi1>
      %broadcast_in_dim3A_76 = vector.broadcast %broadcast_in_dim3A_75 : vector<256x1xi1> to vector<256x5120xi1>
      %broadcast_in_dim3A_77 = vector.broadcast %jit3A_74 : f32 to vector<256x5120xf32>
      %select_n3A_78 = arith.select %broadcast_in_dim3A_76, %select_n3A, %broadcast_in_dim3A_77 : vector<256x5120xi1>, vector<256x5120xf32>
      %reduce_max3A = arith.constant dense<0xFF800000> : vector<5120xf32>
      %reduce_max3A_79 = vector.multi_reduction <maximumf>, %select_n3A_78, %reduce_max3A [0] : vector<256x5120xf32> to vector<5120xf32>
      %broadcast_in_dim3A_80 = vector.shape_cast %reduce_max3A_79 : vector<5120xf32> to vector<1x5120xf32>
      %jit3A_81 = arith.constant 0xFF800000 : f32
      %broadcast_in_dim3A_82 = vector.shape_cast %eq3A_73 : vector<256x1xi1> to vector<256x1xi1>
      %broadcast_in_dim3A_83 = vector.broadcast %broadcast_in_dim3A_82 : vector<256x1xi1> to vector<256x128xi1>
      %broadcast_in_dim3A_84 = vector.broadcast %jit3A_81 : f32 to vector<256x128xf32>
      %select_n3A_85 = arith.select %broadcast_in_dim3A_83, %select_n3A_43, %broadcast_in_dim3A_84 : vector<256x128xi1>, vector<256x128xf32>
      %reduce_max3A_86 = arith.constant dense<0xFF800000> : vector<128xf32>
      %reduce_max3A_87 = vector.multi_reduction <maximumf>, %select_n3A_85, %reduce_max3A_86 [0] : vector<256x128xf32> to vector<128xf32>
      %broadcast_in_dim3A_88 = vector.shape_cast %reduce_max3A_87 : vector<128xf32> to vector<1x128xf32>
      %get3A_89 = arith.index_cast %convert_element_type3A_71 : i32 to index
      %get3A_90 = arith.constant 0 : index
      %get3A_91 = vector.load %arg9[%get3A_89, %get3A_90] : memref<256x5120xf32, #tpu.memory_space<vmem>>, vector<1x5120xf32>
      %max3A_92 = arith.maximumf %get3A_91, %broadcast_in_dim3A_80 : vector<1x5120xf32>
      %swap3A = arith.index_cast %convert_element_type3A_71 : i32 to index
      %swap3A_93 = arith.constant 0 : index
      %swap3A_94 = vector.load %arg9[%swap3A, %swap3A_93] : memref<256x5120xf32, #tpu.memory_space<vmem>>, vector<1x5120xf32>
      tpu.vector_store %arg9[%swap3A, %swap3A_93], %max3A_92 {strides = array<i32>} : memref<256x5120xf32, #tpu.memory_space<vmem>>, vector<1x5120xf32>,
      %get3A_95 = arith.index_cast %convert_element_type3A_71 : i32 to index
      %get3A_96 = arith.constant 0 : index
      %get3A_97 = vector.load %arg10[%get3A_95, %get3A_96] : memref<256x128xf32, #tpu.memory_space<vmem>>, vector<1x128xf32>
      %max3A_98 = arith.maximumf %get3A_97, %broadcast_in_dim3A_88 : vector<1x128xf32>
      %swap3A_99 = arith.index_cast %convert_element_type3A_71 : i32 to index
      %swap3A_100 = arith.constant 0 : index
      %swap3A_101 = vector.load %arg10[%swap3A_99, %swap3A_100] : memref<256x128xf32, #tpu.memory_space<vmem>>, vector<1x128xf32>
      tpu.vector_store %arg10[%swap3A_99, %swap3A_100], %max3A_98 {strides = array<i32>} : memref<256x128xf32, #tpu.memory_space<vmem>>, vector<1x128xf32>,
      %while3A_102 = arith.constant 0 : i32
      scf.yield %while3A_102 : i32
    }
    return
  }
  func.func @transform_0(%arg0: i32) -> (i32, i32) {
    %c0_i32 = arith.constant 0 : i32
    %c0_i32_0 = arith.constant 0 : i32
    return %arg0, %c0_i32 : i32, i32
  }
  func.func @transform_1(%arg0: i32) -> (i32, i32) {
    %c0_i32 = arith.constant 0 : i32
    %c0_i32_0 = arith.constant 0 : i32
    return %arg0, %c0_i32 : i32, i32
  }
  func.func @transform_2(%arg0: i32) -> (i32, i32) {
    %c0_i32 = arith.constant 0 : i32
    %c0_i32_0 = arith.constant 0 : i32
    return %arg0, %c0_i32 : i32, i32
  }
  func.func @transform_3(%arg0: i32) -> (i32, i32) {
    %c0_i32 = arith.constant 0 : i32
    %c0_i32_0 = arith.constant 0 : i32
    return %arg0, %c0_i32 : i32, i32
  }
  func.func @transform_4(%arg0: i32) -> (i32, i32) {
    %c0_i32 = arith.constant 0 : i32
    %c0_i32_0 = arith.constant 0 : i32
    %c0_i32_1 = arith.constant 0 : i32
    return %c0_i32, %c0_i32_0 : i32, i32
  }
  func.func @transform_5(%arg0: i32) -> (i32, i32) {
    %c0_i32 = arith.constant 0 : i32
    %c0_i32_0 = arith.constant 0 : i32
    %c0_i32_1 = arith.constant 0 : i32
    return %c0_i32, %c0_i32_0 : i32, i32
  }
  func.func @transform_6(%arg0: i32) -> (i32, i32) {
    %c0_i32 = arith.constant 0 : i32
    %c0_i32_0 = arith.constant 0 : i32
    %c0_i32_1 = arith.constant 0 : i32
    return %c0_i32, %c0_i32_0 : i32, i32
  }
  func.func @transform_7(%arg0: i32) -> (i32, i32) {
    %c0_i32 = arith.constant 0 : i32
    %c0_i32_0 = arith.constant 0 : i32
    %c0_i32_1 = arith.constant 0 : i32
    return %c0_i32, %c0_i32_0 : i32, i32
  }
  func.func @transform_8(%arg0: i32) -> (i32, i32) {
    %c0_i32 = arith.constant 0 : i32
    %c0_i32_0 = arith.constant 0 : i32
    %c0_i32_1 = arith.constant 0 : i32
    return %c0_i32, %c0_i32_0 : i32, i32
  }
  func.func @transform_9(%arg0: i32) -> (i32, i32) {
    %c0_i32 = arith.constant 0 : i32
    %c0_i32_0 = arith.constant 0 : i32
    %c0_i32_1 = arith.constant 0 : i32
    return %c0_i32, %c0_i32_0 : i32, i32
  }
}

module attributes {stable_mosaic.version = 14 : i64} {
  func.func @_combine_body(%arg0: memref<256x3584xf32, #tpu.memory_space<vmem>>, %arg1: memref<256x3200xf32, #tpu.memory_space<vmem>>, %arg2: memref<256x5120xf32, #tpu.memory_space<vmem>>, %arg3: memref<256x128xf32, #tpu.memory_space<vmem>>, %arg4: memref<128x128xf32, #tpu.memory_space<vmem>>, %arg5: memref<1x128xf32, #tpu.memory_space<vmem>>, %arg6: memref<1x128xf32, #tpu.memory_space<vmem>>, %arg7: memref<512x512xf32, #tpu.memory_space<vmem>>, %arg8: memref<512x512xf32, #tpu.memory_space<vmem>>, %arg9: memref<512x512xf32, #tpu.memory_space<vmem>>, %arg10: memref<1024x512xf32, #tpu.memory_space<vmem>>, %arg11: memref<1024x1024xf32, #tpu.memory_space<vmem>>, %arg12: memref<1024x512xf32, #tpu.memory_space<vmem>>, %arg13: memref<1536x512xf32, #tpu.memory_space<vmem>>, %arg14: memref<1536x1536xf32, #tpu.memory_space<vmem>>, %arg15: memref<1536x512xf32, #tpu.memory_space<vmem>>, %arg16: memref<1x1024xf32, #tpu.memory_space<vmem>>, %arg17: memref<512x512xf32, #tpu.memory_space<vmem>>, %arg18: memref<1x512xf32, #tpu.memory_space<vmem>>, %arg19: memref<1x512xf32, #tpu.memory_space<vmem>>, %arg20: memref<1x512xf32, #tpu.memory_space<vmem>>, %arg21: memref<1x512xf32, #tpu.memory_space<vmem>>, %arg22: memref<1x128xf32, #tpu.memory_space<vmem>>, %arg23: memref<256x128xf32, #tpu.memory_space<vmem>>) attributes {dimension_semantics = [], scalar_prefetch = 0 : i64, scratch_operands = 0 : i64, tpu.core_type = #tpu.core_type<tc>} {
    %get3A = arith.constant 0 : index
    %get3A_0 = arith.constant 0 : index
    %get3A_1 = vector.load %arg0[%get3A, %get3A_0] : memref<256x3584xf32, #tpu.memory_space<vmem>>, vector<256x3584xf32>
    %get3A_2 = arith.constant 0 : index
    %get3A_3 = arith.constant 0 : index
    %get3A_4 = vector.load %arg1[%get3A_2, %get3A_3] : memref<256x3200xf32, #tpu.memory_space<vmem>>, vector<256x3200xf32>
    %get3A_5 = arith.constant 0 : index
    %get3A_6 = arith.constant 0 : index
    %get3A_7 = vector.load %arg3[%get3A_5, %get3A_6] : memref<256x128xf32, #tpu.memory_space<vmem>>, vector<256x128xf32>
    %get3A_8 = arith.constant 0 : index
    %get3A_9 = arith.constant 0 : index
    %get3A_10 = vector.load %arg4[%get3A_8, %get3A_9] : memref<128x128xf32, #tpu.memory_space<vmem>>, vector<128x128xf32>
    %dot_general3A = arith.constant dense<0.000000e+00> : vector<256x128xf32>
    %dot_general3A_11 = tpu.matmul %get3A_7, %get3A_10, %dot_general3A {dimension_numbers = #tpu.dot_dimension_numbers<[1], [0], [0], [1], [0, 0, 1, 1], [], []>, transpose_lhs_hint = false} : vector<256x128xf32>, vector<128x128xf32>, vector<256x128xf32> -> vector<256x128xf32>
    %get3A_12 = arith.constant 0 : index
    %get3A_13 = arith.constant 0 : index
    %get3A_14 = vector.load %arg5[%get3A_12, %get3A_13] : memref<1x128xf32, #tpu.memory_space<vmem>>, vector<1x128xf32>
    %add3A = vector.broadcast %get3A_14 : vector<1x128xf32> to vector<256x128xf32>
    %add3A_15 = arith.addf %dot_general3A_11, %add3A : vector<256x128xf32>
    %iota3A = tpu.iota {dimensions = array<i32: 1>} : vector<256x128xi32>
    %lt3A = arith.constant 10 : i32
    %lt3A_16 = vector.broadcast %lt3A : i32 to vector<256x128xi32>
    %lt3A_17 = arith.cmpi slt, %iota3A, %lt3A_16 : vector<256x128xi32>
    %jit3A = arith.constant 0xFF800000 : f32
    %broadcast_in_dim3A = vector.broadcast %jit3A : f32 to vector<256x128xf32>
    %select_n3A = arith.select %lt3A_17, %add3A_15, %broadcast_in_dim3A : vector<256x128xi1>, vector<256x128xf32>
    %reduce_max3A = arith.constant dense<0xFF800000> : vector<256xf32>
    %reduce_max3A_18 = vector.multi_reduction <maximumf>, %select_n3A, %reduce_max3A [1] : vector<256x128xf32> to vector<256xf32>
    %max3A = arith.constant 0xFF800000 : f32
    %max3A_19 = vector.broadcast %max3A : f32 to vector<256xf32>
    %max3A_20 = arith.maximumf %max3A_19, %reduce_max3A_18 : vector<256xf32>
    %broadcast_in_dim3A_21 = vector.shape_cast %max3A_20 : vector<256xf32> to vector<256x1xf32>
    %sub3A = vector.broadcast %broadcast_in_dim3A_21 : vector<256x1xf32> to vector<256x128xf32>
    %sub3A_22 = arith.subf %select_n3A, %sub3A : vector<256x128xf32>
    %exp3A = math.exp %sub3A_22 : vector<256x128xf32>
    %reduce_sum3A = arith.constant dense<0.000000e+00> : vector<256xf32>
    %reduce_sum3A_23 = vector.multi_reduction <add>, %exp3A, %reduce_sum3A [1] : vector<256x128xf32> to vector<256xf32>
    %broadcast_in_dim3A_24 = vector.shape_cast %reduce_sum3A_23 : vector<256xf32> to vector<256x1xf32>
    %div3A = vector.broadcast %broadcast_in_dim3A_24 : vector<256x1xf32> to vector<256x128xf32>
    %div3A_25 = arith.divf %exp3A, %div3A : vector<256x128xf32>
    %get3A_26 = arith.constant 0 : index
    %get3A_27 = arith.constant 0 : index
    %get3A_28 = vector.load %arg2[%get3A_26, %get3A_27] : memref<256x5120xf32, #tpu.memory_space<vmem>>, vector<256x5120xf32>
    %broadcast_in_dim3A_29 = arith.constant 0.000000e+00 : f32
    %broadcast_in_dim3A_30 = vector.broadcast %broadcast_in_dim3A_29 : f32 to vector<256x512xf32>
    %slice3A = vector.extract_strided_slice %div3A_25 {offsets = [0, 0], sizes = [256, 1], strides = [1, 1]} : vector<256x128xf32> to vector<256x1xf32>
    %slice3A_31 = vector.extract_strided_slice %get3A_28 {offsets = [0, 0], sizes = [256, 512], strides = [1, 1]} : vector<256x5120xf32> to vector<256x512xf32>
    %mul3A = vector.broadcast %slice3A : vector<256x1xf32> to vector<256x512xf32>
    %mul3A_32 = arith.mulf %mul3A, %slice3A_31 : vector<256x512xf32>
    %add3A_33 = arith.addf %broadcast_in_dim3A_30, %mul3A_32 : vector<256x512xf32>
    %slice3A_34 = vector.extract_strided_slice %div3A_25 {offsets = [0, 1], sizes = [256, 1], strides = [1, 1]} : vector<256x128xf32> to vector<256x1xf32>
    %slice3A_35 = vector.extract_strided_slice %get3A_28 {offsets = [0, 512], sizes = [256, 512], strides = [1, 1]} : vector<256x5120xf32> to vector<256x512xf32>
    %mul3A_36 = vector.broadcast %slice3A_34 : vector<256x1xf32> to vector<256x512xf32>
    %mul3A_37 = arith.mulf %mul3A_36, %slice3A_35 : vector<256x512xf32>
    %add3A_38 = arith.addf %add3A_33, %mul3A_37 : vector<256x512xf32>
    %slice3A_39 = vector.extract_strided_slice %div3A_25 {offsets = [0, 2], sizes = [256, 1], strides = [1, 1]} : vector<256x128xf32> to vector<256x1xf32>
    %slice3A_40 = vector.extract_strided_slice %get3A_28 {offsets = [0, 1024], sizes = [256, 512], strides = [1, 1]} : vector<256x5120xf32> to vector<256x512xf32>
    %mul3A_41 = vector.broadcast %slice3A_39 : vector<256x1xf32> to vector<256x512xf32>
    %mul3A_42 = arith.mulf %mul3A_41, %slice3A_40 : vector<256x512xf32>
    %add3A_43 = arith.addf %add3A_38, %mul3A_42 : vector<256x512xf32>
    %slice3A_44 = vector.extract_strided_slice %div3A_25 {offsets = [0, 3], sizes = [256, 1], strides = [1, 1]} : vector<256x128xf32> to vector<256x1xf32>
    %slice3A_45 = vector.extract_strided_slice %get3A_28 {offsets = [0, 1536], sizes = [256, 512], strides = [1, 1]} : vector<256x5120xf32> to vector<256x512xf32>
    %mul3A_46 = vector.broadcast %slice3A_44 : vector<256x1xf32> to vector<256x512xf32>
    %mul3A_47 = arith.mulf %mul3A_46, %slice3A_45 : vector<256x512xf32>
    %add3A_48 = arith.addf %add3A_43, %mul3A_47 : vector<256x512xf32>
    %slice3A_49 = vector.extract_strided_slice %div3A_25 {offsets = [0, 4], sizes = [256, 1], strides = [1, 1]} : vector<256x128xf32> to vector<256x1xf32>
    %slice3A_50 = vector.extract_strided_slice %get3A_28 {offsets = [0, 2048], sizes = [256, 512], strides = [1, 1]} : vector<256x5120xf32> to vector<256x512xf32>
    %mul3A_51 = vector.broadcast %slice3A_49 : vector<256x1xf32> to vector<256x512xf32>
    %mul3A_52 = arith.mulf %mul3A_51, %slice3A_50 : vector<256x512xf32>
    %add3A_53 = arith.addf %add3A_48, %mul3A_52 : vector<256x512xf32>
    %slice3A_54 = vector.extract_strided_slice %div3A_25 {offsets = [0, 5], sizes = [256, 1], strides = [1, 1]} : vector<256x128xf32> to vector<256x1xf32>
    %slice3A_55 = vector.extract_strided_slice %get3A_28 {offsets = [0, 2560], sizes = [256, 512], strides = [1, 1]} : vector<256x5120xf32> to vector<256x512xf32>
    %mul3A_56 = vector.broadcast %slice3A_54 : vector<256x1xf32> to vector<256x512xf32>
    %mul3A_57 = arith.mulf %mul3A_56, %slice3A_55 : vector<256x512xf32>
    %add3A_58 = arith.addf %add3A_53, %mul3A_57 : vector<256x512xf32>
    %slice3A_59 = vector.extract_strided_slice %div3A_25 {offsets = [0, 6], sizes = [256, 1], strides = [1, 1]} : vector<256x128xf32> to vector<256x1xf32>
    %slice3A_60 = vector.extract_strided_slice %get3A_28 {offsets = [0, 3072], sizes = [256, 512], strides = [1, 1]} : vector<256x5120xf32> to vector<256x512xf32>
    %mul3A_61 = vector.broadcast %slice3A_59 : vector<256x1xf32> to vector<256x512xf32>
    %mul3A_62 = arith.mulf %mul3A_61, %slice3A_60 : vector<256x512xf32>
    %add3A_63 = arith.addf %add3A_58, %mul3A_62 : vector<256x512xf32>
    %slice3A_64 = vector.extract_strided_slice %div3A_25 {offsets = [0, 7], sizes = [256, 1], strides = [1, 1]} : vector<256x128xf32> to vector<256x1xf32>
    %slice3A_65 = vector.extract_strided_slice %get3A_28 {offsets = [0, 3584], sizes = [256, 512], strides = [1, 1]} : vector<256x5120xf32> to vector<256x512xf32>
    %mul3A_66 = vector.broadcast %slice3A_64 : vector<256x1xf32> to vector<256x512xf32>
    %mul3A_67 = arith.mulf %mul3A_66, %slice3A_65 : vector<256x512xf32>
    %add3A_68 = arith.addf %add3A_63, %mul3A_67 : vector<256x512xf32>
    %slice3A_69 = vector.extract_strided_slice %div3A_25 {offsets = [0, 8], sizes = [256, 1], strides = [1, 1]} : vector<256x128xf32> to vector<256x1xf32>
    %slice3A_70 = vector.extract_strided_slice %get3A_28 {offsets = [0, 4096], sizes = [256, 512], strides = [1, 1]} : vector<256x5120xf32> to vector<256x512xf32>
    %mul3A_71 = vector.broadcast %slice3A_69 : vector<256x1xf32> to vector<256x512xf32>
    %mul3A_72 = arith.mulf %mul3A_71, %slice3A_70 : vector<256x512xf32>
    %add3A_73 = arith.addf %add3A_68, %mul3A_72 : vector<256x512xf32>
    %slice3A_74 = vector.extract_strided_slice %div3A_25 {offsets = [0, 9], sizes = [256, 1], strides = [1, 1]} : vector<256x128xf32> to vector<256x1xf32>
    %slice3A_75 = vector.extract_strided_slice %get3A_28 {offsets = [0, 4608], sizes = [256, 512], strides = [1, 1]} : vector<256x5120xf32> to vector<256x512xf32>
    %mul3A_76 = vector.broadcast %slice3A_74 : vector<256x1xf32> to vector<256x512xf32>
    %mul3A_77 = arith.mulf %mul3A_76, %slice3A_75 : vector<256x512xf32>
    %add3A_78 = arith.addf %add3A_73, %mul3A_77 : vector<256x512xf32>
    %mul3A_79 = arith.mulf %add3A_78, %add3A_78 : vector<256x512xf32>
    %reduce_sum3A_80 = arith.constant dense<0.000000e+00> : vector<256xf32>
    %reduce_sum3A_81 = vector.multi_reduction <add>, %mul3A_79, %reduce_sum3A_80 [1] : vector<256x512xf32> to vector<256xf32>
    %broadcast_in_dim3A_82 = vector.shape_cast %reduce_sum3A_81 : vector<256xf32> to vector<256x1xf32>
    %sqrt3A = math.sqrt %broadcast_in_dim3A_82 : vector<256x1xf32>
    %max3A_83 = arith.constant 9.99999996E-13 : f32
    %max3A_84 = vector.broadcast %max3A_83 : f32 to vector<256x1xf32>
    %max3A_85 = arith.maximumf %sqrt3A, %max3A_84 : vector<256x1xf32>
    %div3A_86 = vector.broadcast %max3A_85 : vector<256x1xf32> to vector<256x512xf32>
    %div3A_87 = arith.divf %add3A_78, %div3A_86 : vector<256x512xf32>
    %slice3A_88 = vector.extract_strided_slice %get3A_4 {offsets = [0, 3072], sizes = [256, 128], strides = [1, 1]} : vector<256x3200xf32> to vector<256x128xf32>
    %get3A_89 = arith.constant 0 : index
    %get3A_90 = arith.constant 0 : index
    %get3A_91 = vector.load %arg6[%get3A_89, %get3A_90] : memref<1x128xf32, #tpu.memory_space<vmem>>, vector<1x128xf32>
    %add3A_92 = vector.broadcast %get3A_91 : vector<1x128xf32> to vector<256x128xf32>
    %add3A_93 = arith.addf %slice3A_88, %add3A_92 : vector<256x128xf32>
    %lt3A_94 = arith.constant 7 : i32
    %lt3A_95 = vector.broadcast %lt3A_94 : i32 to vector<256x128xi32>
    %lt3A_96 = arith.cmpi slt, %iota3A, %lt3A_95 : vector<256x128xi32>
    %jit3A_97 = arith.constant 0xFF800000 : f32
    %broadcast_in_dim3A_98 = vector.broadcast %jit3A_97 : f32 to vector<256x128xf32>
    %select_n3A_99 = arith.select %lt3A_96, %add3A_93, %broadcast_in_dim3A_98 : vector<256x128xi1>, vector<256x128xf32>
    %reduce_max3A_100 = arith.constant dense<0xFF800000> : vector<256xf32>
    %reduce_max3A_101 = vector.multi_reduction <maximumf>, %select_n3A_99, %reduce_max3A_100 [1] : vector<256x128xf32> to vector<256xf32>
    %max3A_102 = arith.constant 0xFF800000 : f32
    %max3A_103 = vector.broadcast %max3A_102 : f32 to vector<256xf32>
    %max3A_104 = arith.maximumf %max3A_103, %reduce_max3A_101 : vector<256xf32>
    %broadcast_in_dim3A_105 = vector.shape_cast %max3A_104 : vector<256xf32> to vector<256x1xf32>
    %sub3A_106 = vector.broadcast %broadcast_in_dim3A_105 : vector<256x1xf32> to vector<256x128xf32>
    %sub3A_107 = arith.subf %select_n3A_99, %sub3A_106 : vector<256x128xf32>
    %exp3A_108 = math.exp %sub3A_107 : vector<256x128xf32>
    %reduce_sum3A_109 = arith.constant dense<0.000000e+00> : vector<256xf32>
    %reduce_sum3A_110 = vector.multi_reduction <add>, %exp3A_108, %reduce_sum3A_109 [1] : vector<256x128xf32> to vector<256xf32>
    %broadcast_in_dim3A_111 = vector.shape_cast %reduce_sum3A_110 : vector<256xf32> to vector<256x1xf32>
    %div3A_112 = vector.broadcast %broadcast_in_dim3A_111 : vector<256x1xf32> to vector<256x128xf32>
    %div3A_113 = arith.divf %exp3A_108, %div3A_112 : vector<256x128xf32>
    %slice3A_114 = vector.extract_strided_slice %get3A_1 {offsets = [0, 0], sizes = [256, 512], strides = [1, 1]} : vector<256x3584xf32> to vector<256x512xf32>
    %slice3A_115 = vector.extract_strided_slice %get3A_1 {offsets = [0, 512], sizes = [256, 512], strides = [1, 1]} : vector<256x3584xf32> to vector<256x512xf32>
    %max3A_116 = arith.constant 0.000000e+00 : f32
    %max3A_117 = vector.broadcast %max3A_116 : f32 to vector<256x512xf32>
    %max3A_118 = arith.maximumf %slice3A_115, %max3A_117 : vector<256x512xf32>
    %get3A_119 = arith.constant 0 : index
    %get3A_120 = arith.constant 0 : index
    %get3A_121 = vector.load %arg7[%get3A_119, %get3A_120] : memref<512x512xf32, #tpu.memory_space<vmem>>, vector<512x512xf32>
    %dot_general3A_122 = arith.constant dense<0.000000e+00> : vector<256x512xf32>
    %dot_general3A_123 = tpu.matmul %max3A_118, %get3A_121, %dot_general3A_122 {dimension_numbers = #tpu.dot_dimension_numbers<[1], [0], [0], [1], [0, 0, 1, 1], [], []>, transpose_lhs_hint = false} : vector<256x512xf32>, vector<512x512xf32>, vector<256x512xf32> -> vector<256x512xf32>
    %slice3A_124 = vector.extract_strided_slice %get3A_1 {offsets = [0, 1024], sizes = [256, 512], strides = [1, 1]} : vector<256x3584xf32> to vector<256x512xf32>
    %max3A_125 = arith.constant 0.000000e+00 : f32
    %max3A_126 = vector.broadcast %max3A_125 : f32 to vector<256x512xf32>
    %max3A_127 = arith.maximumf %slice3A_124, %max3A_126 : vector<256x512xf32>
    %get3A_128 = arith.constant 0 : index
    %get3A_129 = arith.constant 0 : index
    %get3A_130 = vector.load %arg8[%get3A_128, %get3A_129] : memref<512x512xf32, #tpu.memory_space<vmem>>, vector<512x512xf32>
    %dot_general3A_131 = arith.constant dense<0.000000e+00> : vector<256x512xf32>
    %dot_general3A_132 = tpu.matmul %max3A_127, %get3A_130, %dot_general3A_131 {dimension_numbers = #tpu.dot_dimension_numbers<[1], [0], [0], [1], [0, 0, 1, 1], [], []>, transpose_lhs_hint = false} : vector<256x512xf32>, vector<512x512xf32>, vector<256x512xf32> -> vector<256x512xf32>
    %max3A_133 = arith.constant 0.000000e+00 : f32
    %max3A_134 = vector.broadcast %max3A_133 : f32 to vector<256x512xf32>
    %max3A_135 = arith.maximumf %dot_general3A_132, %max3A_134 : vector<256x512xf32>
    %get3A_136 = arith.constant 0 : index
    %get3A_137 = arith.constant 0 : index
    %get3A_138 = vector.load %arg9[%get3A_136, %get3A_137] : memref<512x512xf32, #tpu.memory_space<vmem>>, vector<512x512xf32>
    %dot_general3A_139 = arith.constant dense<0.000000e+00> : vector<256x512xf32>
    %dot_general3A_140 = tpu.matmul %max3A_135, %get3A_138, %dot_general3A_139 {dimension_numbers = #tpu.dot_dimension_numbers<[1], [0], [0], [1], [0, 0, 1, 1], [], []>, transpose_lhs_hint = false} : vector<256x512xf32>, vector<512x512xf32>, vector<256x512xf32> -> vector<256x512xf32>
    %slice3A_141 = vector.extract_strided_slice %get3A_1 {offsets = [0, 1536], sizes = [256, 1024], strides = [1, 1]} : vector<256x3584xf32> to vector<256x1024xf32>
    %max3A_142 = arith.constant 0.000000e+00 : f32
    %max3A_143 = vector.broadcast %max3A_142 : f32 to vector<256x1024xf32>
    %max3A_144 = arith.maximumf %slice3A_141, %max3A_143 : vector<256x1024xf32>
    %get3A_145 = arith.constant 0 : index
    %get3A_146 = arith.constant 0 : index
    %get3A_147 = vector.load %arg10[%get3A_145, %get3A_146] : memref<1024x512xf32, #tpu.memory_space<vmem>>, vector<1024x512xf32>
    %dot_general3A_148 = arith.constant dense<0.000000e+00> : vector<256x512xf32>
    %dot_general3A_149 = tpu.matmul %max3A_144, %get3A_147, %dot_general3A_148 {dimension_numbers = #tpu.dot_dimension_numbers<[1], [0], [0], [1], [0, 0, 1, 1], [], []>, transpose_lhs_hint = false} : vector<256x1024xf32>, vector<1024x512xf32>, vector<256x512xf32> -> vector<256x512xf32>
    %slice3A_150 = vector.extract_strided_slice %get3A_1 {offsets = [0, 2560], sizes = [256, 1024], strides = [1, 1]} : vector<256x3584xf32> to vector<256x1024xf32>
    %max3A_151 = arith.constant 0.000000e+00 : f32
    %max3A_152 = vector.broadcast %max3A_151 : f32 to vector<256x1024xf32>
    %max3A_153 = arith.maximumf %slice3A_150, %max3A_152 : vector<256x1024xf32>
    %get3A_154 = arith.constant 0 : index
    %get3A_155 = arith.constant 0 : index
    %get3A_156 = vector.load %arg11[%get3A_154, %get3A_155] : memref<1024x1024xf32, #tpu.memory_space<vmem>>, vector<1024x1024xf32>
    %dot_general3A_157 = arith.constant dense<0.000000e+00> : vector<256x1024xf32>
    %dot_general3A_158 = tpu.matmul %max3A_153, %get3A_156, %dot_general3A_157 {dimension_numbers = #tpu.dot_dimension_numbers<[1], [0], [0], [1], [0, 0, 1, 1], [], []>, transpose_lhs_hint = false} : vector<256x1024xf32>, vector<1024x1024xf32>, vector<256x1024xf32> -> vector<256x1024xf32>
    %max3A_159 = arith.constant 0.000000e+00 : f32
    %max3A_160 = vector.broadcast %max3A_159 : f32 to vector<256x1024xf32>
    %max3A_161 = arith.maximumf %dot_general3A_158, %max3A_160 : vector<256x1024xf32>
    %get3A_162 = arith.constant 0 : index
    %get3A_163 = arith.constant 0 : index
    %get3A_164 = vector.load %arg12[%get3A_162, %get3A_163] : memref<1024x512xf32, #tpu.memory_space<vmem>>, vector<1024x512xf32>
    %dot_general3A_165 = arith.constant dense<0.000000e+00> : vector<256x512xf32>
    %dot_general3A_166 = tpu.matmul %max3A_161, %get3A_164, %dot_general3A_165 {dimension_numbers = #tpu.dot_dimension_numbers<[1], [0], [0], [1], [0, 0, 1, 1], [], []>, transpose_lhs_hint = false} : vector<256x1024xf32>, vector<1024x512xf32>, vector<256x512xf32> -> vector<256x512xf32>
    %slice3A_167 = vector.extract_strided_slice %get3A_4 {offsets = [0, 0], sizes = [256, 1536], strides = [1, 1]} : vector<256x3200xf32> to vector<256x1536xf32>
    %max3A_168 = arith.constant 0.000000e+00 : f32
    %max3A_169 = vector.broadcast %max3A_168 : f32 to vector<256x1536xf32>
    %max3A_170 = arith.maximumf %slice3A_167, %max3A_169 : vector<256x1536xf32>
    %get3A_171 = arith.constant 0 : index
    %get3A_172 = arith.constant 0 : index
    %get3A_173 = vector.load %arg13[%get3A_171, %get3A_172] : memref<1536x512xf32, #tpu.memory_space<vmem>>, vector<1536x512xf32>
    %dot_general3A_174 = arith.constant dense<0.000000e+00> : vector<256x512xf32>
    %dot_general3A_175 = tpu.matmul %max3A_170, %get3A_173, %dot_general3A_174 {dimension_numbers = #tpu.dot_dimension_numbers<[1], [0], [0], [1], [0, 0, 1, 1], [], []>, transpose_lhs_hint = false} : vector<256x1536xf32>, vector<1536x512xf32>, vector<256x512xf32> -> vector<256x512xf32>
    %slice3A_176 = vector.extract_strided_slice %get3A_4 {offsets = [0, 1536], sizes = [256, 1536], strides = [1, 1]} : vector<256x3200xf32> to vector<256x1536xf32>
    %max3A_177 = arith.constant 0.000000e+00 : f32
    %max3A_178 = vector.broadcast %max3A_177 : f32 to vector<256x1536xf32>
    %max3A_179 = arith.maximumf %slice3A_176, %max3A_178 : vector<256x1536xf32>
    %get3A_180 = arith.constant 0 : index
    %get3A_181 = arith.constant 0 : index
    %get3A_182 = vector.load %arg14[%get3A_180, %get3A_181] : memref<1536x1536xf32, #tpu.memory_space<vmem>>, vector<1536x1536xf32>
    %dot_general3A_183 = arith.constant dense<0.000000e+00> : vector<256x1536xf32>
    %dot_general3A_184 = tpu.matmul %max3A_179, %get3A_182, %dot_general3A_183 {dimension_numbers = #tpu.dot_dimension_numbers<[1], [0], [0], [1], [0, 0, 1, 1], [], []>, transpose_lhs_hint = false} : vector<256x1536xf32>, vector<1536x1536xf32>, vector<256x1536xf32> -> vector<256x1536xf32>
    %max3A_185 = arith.constant 0.000000e+00 : f32
    %max3A_186 = vector.broadcast %max3A_185 : f32 to vector<256x1536xf32>
    %max3A_187 = arith.maximumf %dot_general3A_184, %max3A_186 : vector<256x1536xf32>
    %get3A_188 = arith.constant 0 : index
    %get3A_189 = arith.constant 0 : index
    %get3A_190 = vector.load %arg15[%get3A_188, %get3A_189] : memref<1536x512xf32, #tpu.memory_space<vmem>>, vector<1536x512xf32>
    %dot_general3A_191 = arith.constant dense<0.000000e+00> : vector<256x512xf32>
    %dot_general3A_192 = tpu.matmul %max3A_187, %get3A_190, %dot_general3A_191 {dimension_numbers = #tpu.dot_dimension_numbers<[1], [0], [0], [1], [0, 0, 1, 1], [], []>, transpose_lhs_hint = false} : vector<256x1536xf32>, vector<1536x512xf32>, vector<256x512xf32> -> vector<256x512xf32>
    %broadcast_in_dim3A_193 = arith.constant 0.000000e+00 : f32
    %broadcast_in_dim3A_194 = vector.broadcast %broadcast_in_dim3A_193 : f32 to vector<256x512xf32>
    %slice3A_195 = vector.extract_strided_slice %div3A_113 {offsets = [0, 0], sizes = [256, 1], strides = [1, 1]} : vector<256x128xf32> to vector<256x1xf32>
    %mul3A_196 = vector.broadcast %slice3A_195 : vector<256x1xf32> to vector<256x512xf32>
    %mul3A_197 = arith.mulf %mul3A_196, %slice3A_114 : vector<256x512xf32>
    %add3A_198 = arith.addf %broadcast_in_dim3A_194, %mul3A_197 : vector<256x512xf32>
    %slice3A_199 = vector.extract_strided_slice %div3A_113 {offsets = [0, 1], sizes = [256, 1], strides = [1, 1]} : vector<256x128xf32> to vector<256x1xf32>
    %mul3A_200 = vector.broadcast %slice3A_199 : vector<256x1xf32> to vector<256x512xf32>
    %mul3A_201 = arith.mulf %mul3A_200, %dot_general3A_123 : vector<256x512xf32>
    %add3A_202 = arith.addf %add3A_198, %mul3A_201 : vector<256x512xf32>
    %slice3A_203 = vector.extract_strided_slice %div3A_113 {offsets = [0, 2], sizes = [256, 1], strides = [1, 1]} : vector<256x128xf32> to vector<256x1xf32>
    %mul3A_204 = vector.broadcast %slice3A_203 : vector<256x1xf32> to vector<256x512xf32>
    %mul3A_205 = arith.mulf %mul3A_204, %dot_general3A_140 : vector<256x512xf32>
    %add3A_206 = arith.addf %add3A_202, %mul3A_205 : vector<256x512xf32>
    %slice3A_207 = vector.extract_strided_slice %div3A_113 {offsets = [0, 3], sizes = [256, 1], strides = [1, 1]} : vector<256x128xf32> to vector<256x1xf32>
    %mul3A_208 = vector.broadcast %slice3A_207 : vector<256x1xf32> to vector<256x512xf32>
    %mul3A_209 = arith.mulf %mul3A_208, %dot_general3A_149 : vector<256x512xf32>
    %add3A_210 = arith.addf %add3A_206, %mul3A_209 : vector<256x512xf32>
    %slice3A_211 = vector.extract_strided_slice %div3A_113 {offsets = [0, 4], sizes = [256, 1], strides = [1, 1]} : vector<256x128xf32> to vector<256x1xf32>
    %mul3A_212 = vector.broadcast %slice3A_211 : vector<256x1xf32> to vector<256x512xf32>
    %mul3A_213 = arith.mulf %mul3A_212, %dot_general3A_166 : vector<256x512xf32>
    %add3A_214 = arith.addf %add3A_210, %mul3A_213 : vector<256x512xf32>
    %slice3A_215 = vector.extract_strided_slice %div3A_113 {offsets = [0, 5], sizes = [256, 1], strides = [1, 1]} : vector<256x128xf32> to vector<256x1xf32>
    %mul3A_216 = vector.broadcast %slice3A_215 : vector<256x1xf32> to vector<256x512xf32>
    %mul3A_217 = arith.mulf %mul3A_216, %dot_general3A_175 : vector<256x512xf32>
    %add3A_218 = arith.addf %add3A_214, %mul3A_217 : vector<256x512xf32>
    %slice3A_219 = vector.extract_strided_slice %div3A_113 {offsets = [0, 6], sizes = [256, 1], strides = [1, 1]} : vector<256x128xf32> to vector<256x1xf32>
    %mul3A_220 = vector.broadcast %slice3A_219 : vector<256x1xf32> to vector<256x512xf32>
    %mul3A_221 = arith.mulf %mul3A_220, %dot_general3A_192 : vector<256x512xf32>
    %add3A_222 = arith.addf %add3A_218, %mul3A_221 : vector<256x512xf32>
    %mul3A_223 = arith.mulf %add3A_222, %add3A_222 : vector<256x512xf32>
    %reduce_sum3A_224 = arith.constant dense<0.000000e+00> : vector<256xf32>
    %reduce_sum3A_225 = vector.multi_reduction <add>, %mul3A_223, %reduce_sum3A_224 [1] : vector<256x512xf32> to vector<256xf32>
    %broadcast_in_dim3A_226 = vector.shape_cast %reduce_sum3A_225 : vector<256xf32> to vector<256x1xf32>
    %sqrt3A_227 = math.sqrt %broadcast_in_dim3A_226 : vector<256x1xf32>
    %max3A_228 = arith.constant 9.99999996E-13 : f32
    %max3A_229 = vector.broadcast %max3A_228 : f32 to vector<256x1xf32>
    %max3A_230 = arith.maximumf %sqrt3A_227, %max3A_229 : vector<256x1xf32>
    %div3A_231 = vector.broadcast %max3A_230 : vector<256x1xf32> to vector<256x512xf32>
    %div3A_232 = arith.divf %add3A_222, %div3A_231 : vector<256x512xf32>
    %get3A_233 = arith.constant 0 : index
    %get3A_234 = arith.constant 0 : index
    %get3A_235 = vector.load %arg16[%get3A_233, %get3A_234] : memref<1x1024xf32, #tpu.memory_space<vmem>>, vector<1x1024xf32>
    %slice3A_236 = vector.extract_strided_slice %get3A_235 {offsets = [0, 0], sizes = [1, 512], strides = [1, 1]} : vector<1x1024xf32> to vector<1x512xf32>
    %mul3A_237 = vector.broadcast %slice3A_236 : vector<1x512xf32> to vector<256x512xf32>
    %mul3A_238 = arith.mulf %div3A_87, %mul3A_237 : vector<256x512xf32>
    %reduce_sum3A_239 = arith.constant dense<0.000000e+00> : vector<256xf32>
    %reduce_sum3A_240 = vector.multi_reduction <add>, %mul3A_238, %reduce_sum3A_239 [1] : vector<256x512xf32> to vector<256xf32>
    %broadcast_in_dim3A_241 = vector.shape_cast %reduce_sum3A_240 : vector<256xf32> to vector<256x1xf32>
    %slice3A_242 = vector.extract_strided_slice %get3A_235 {offsets = [0, 512], sizes = [1, 512], strides = [1, 1]} : vector<1x1024xf32> to vector<1x512xf32>
    %mul3A_243 = vector.broadcast %slice3A_242 : vector<1x512xf32> to vector<256x512xf32>
    %mul3A_244 = arith.mulf %div3A_232, %mul3A_243 : vector<256x512xf32>
    %reduce_sum3A_245 = arith.constant dense<0.000000e+00> : vector<256xf32>
    %reduce_sum3A_246 = vector.multi_reduction <add>, %mul3A_244, %reduce_sum3A_245 [1] : vector<256x512xf32> to vector<256xf32>
    %broadcast_in_dim3A_247 = vector.shape_cast %reduce_sum3A_246 : vector<256xf32> to vector<256x1xf32>
    %add3A_248 = arith.addf %broadcast_in_dim3A_241, %broadcast_in_dim3A_247 : vector<256x1xf32>
    %get3A_249 = arith.constant 0 : index
    %get3A_250 = arith.constant 0 : index
    %get3A_251 = vector.load %arg22[%get3A_249, %get3A_250] : memref<1x128xf32, #tpu.memory_space<vmem>>, vector<1x1xf32>
    %get3A_252 = vector.extract %get3A_251[0, 0] : f32 from vector<1x1xf32>
    %add3A_253 = vector.broadcast %get3A_252 : f32 to vector<256x1xf32>
    %add3A_254 = arith.addf %add3A_248, %add3A_253 : vector<256x1xf32>
    %neg3A = arith.constant 0.000000e+00 : f32
    %neg3A_255 = vector.broadcast %neg3A : f32 to vector<256x1xf32>
    %neg3A_256 = arith.subf %neg3A_255, %add3A_254 : vector<256x1xf32>
    %exp3A_257 = math.exp %neg3A_256 : vector<256x1xf32>
    %add3A_258 = arith.constant 1.000000e+00 : f32
    %add3A_259 = vector.broadcast %add3A_258 : f32 to vector<256x1xf32>
    %add3A_260 = arith.addf %add3A_259, %exp3A_257 : vector<256x1xf32>
    %div3A_261 = arith.constant 1.000000e+00 : f32
    %div3A_262 = vector.broadcast %div3A_261 : f32 to vector<256x1xf32>
    %div3A_263 = arith.divf %div3A_262, %add3A_260 : vector<256x1xf32>
    %mul3A_264 = vector.broadcast %div3A_263 : vector<256x1xf32> to vector<256x512xf32>
    %mul3A_265 = arith.mulf %mul3A_264, %div3A_87 : vector<256x512xf32>
    %sub3A_266 = arith.constant 1.000000e+00 : f32
    %sub3A_267 = vector.broadcast %sub3A_266 : f32 to vector<256x1xf32>
    %sub3A_268 = arith.subf %sub3A_267, %div3A_263 : vector<256x1xf32>
    %mul3A_269 = vector.broadcast %sub3A_268 : vector<256x1xf32> to vector<256x512xf32>
    %mul3A_270 = arith.mulf %mul3A_269, %div3A_232 : vector<256x512xf32>
    %add3A_271 = arith.addf %mul3A_265, %mul3A_270 : vector<256x512xf32>
    %get3A_272 = arith.constant 0 : index
    %get3A_273 = arith.constant 0 : index
    %get3A_274 = vector.load %arg17[%get3A_272, %get3A_273] : memref<512x512xf32, #tpu.memory_space<vmem>>, vector<512x512xf32>
    %dot_general3A_275 = arith.constant dense<0.000000e+00> : vector<256x512xf32>
    %dot_general3A_276 = tpu.matmul %add3A_271, %get3A_274, %dot_general3A_275 {dimension_numbers = #tpu.dot_dimension_numbers<[1], [0], [0], [1], [0, 0, 1, 1], [], []>, transpose_lhs_hint = false} : vector<256x512xf32>, vector<512x512xf32>, vector<256x512xf32> -> vector<256x512xf32>
    %get3A_277 = arith.constant 0 : index
    %get3A_278 = arith.constant 0 : index
    %get3A_279 = vector.load %arg18[%get3A_277, %get3A_278] : memref<1x512xf32, #tpu.memory_space<vmem>>, vector<1x512xf32>
    %add3A_280 = vector.broadcast %get3A_279 : vector<1x512xf32> to vector<256x512xf32>
    %add3A_281 = arith.addf %dot_general3A_276, %add3A_280 : vector<256x512xf32>
    %max3A_282 = arith.constant 0.000000e+00 : f32
    %max3A_283 = vector.broadcast %max3A_282 : f32 to vector<256x512xf32>
    %max3A_284 = arith.maximumf %add3A_281, %max3A_283 : vector<256x512xf32>
    %reduce_sum3A_285 = arith.constant dense<0.000000e+00> : vector<512xf32>
    %reduce_sum3A_286 = vector.multi_reduction <add>, %max3A_284, %reduce_sum3A_285 [0] : vector<256x512xf32> to vector<512xf32>
    %broadcast_in_dim3A_287 = vector.shape_cast %reduce_sum3A_286 : vector<512xf32> to vector<1x512xf32>
    %div3A_288 = arith.constant 2.560000e+02 : f32
    %div3A_289 = vector.broadcast %div3A_288 : f32 to vector<1x512xf32>
    %div3A_290 = arith.divf %broadcast_in_dim3A_287, %div3A_289 : vector<1x512xf32>
    %sub3A_291 = vector.broadcast %div3A_290 : vector<1x512xf32> to vector<256x512xf32>
    %sub3A_292 = arith.subf %max3A_284, %sub3A_291 : vector<256x512xf32>
    %sub3A_293 = vector.broadcast %div3A_290 : vector<1x512xf32> to vector<256x512xf32>
    %sub3A_294 = arith.subf %max3A_284, %sub3A_293 : vector<256x512xf32>
    %mul3A_295 = arith.mulf %sub3A_292, %sub3A_294 : vector<256x512xf32>
    %reduce_sum3A_296 = arith.constant dense<0.000000e+00> : vector<512xf32>
    %reduce_sum3A_297 = vector.multi_reduction <add>, %mul3A_295, %reduce_sum3A_296 [0] : vector<256x512xf32> to vector<512xf32>
    %broadcast_in_dim3A_298 = vector.shape_cast %reduce_sum3A_297 : vector<512xf32> to vector<1x512xf32>
    %div3A_299 = arith.constant 2.560000e+02 : f32
    %div3A_300 = vector.broadcast %div3A_299 : f32 to vector<1x512xf32>
    %div3A_301 = arith.divf %broadcast_in_dim3A_298, %div3A_300 : vector<1x512xf32>
    %sub3A_302 = vector.broadcast %div3A_290 : vector<1x512xf32> to vector<256x512xf32>
    %sub3A_303 = arith.subf %max3A_284, %sub3A_302 : vector<256x512xf32>
    %add3A_304 = arith.constant 9.99999974E-6 : f32
    %add3A_305 = vector.broadcast %add3A_304 : f32 to vector<1x512xf32>
    %add3A_306 = arith.addf %div3A_301, %add3A_305 : vector<1x512xf32>
    %sqrt3A_307 = math.sqrt %add3A_306 : vector<1x512xf32>
    %div3A_308 = vector.broadcast %sqrt3A_307 : vector<1x512xf32> to vector<256x512xf32>
    %div3A_309 = arith.divf %sub3A_303, %div3A_308 : vector<256x512xf32>
    %get3A_310 = arith.constant 0 : index
    %get3A_311 = arith.constant 0 : index
    %get3A_312 = vector.load %arg19[%get3A_310, %get3A_311] : memref<1x512xf32, #tpu.memory_space<vmem>>, vector<1x512xf32>
    %mul3A_313 = vector.broadcast %get3A_312 : vector<1x512xf32> to vector<256x512xf32>
    %mul3A_314 = arith.mulf %div3A_309, %mul3A_313 : vector<256x512xf32>
    %get3A_315 = arith.constant 0 : index
    %get3A_316 = arith.constant 0 : index
    %get3A_317 = vector.load %arg20[%get3A_315, %get3A_316] : memref<1x512xf32, #tpu.memory_space<vmem>>, vector<1x512xf32>
    %add3A_318 = vector.broadcast %get3A_317 : vector<1x512xf32> to vector<256x512xf32>
    %add3A_319 = arith.addf %mul3A_314, %add3A_318 : vector<256x512xf32>
    %get3A_320 = arith.constant 0 : index
    %get3A_321 = arith.constant 0 : index
    %get3A_322 = vector.load %arg21[%get3A_320, %get3A_321] : memref<1x512xf32, #tpu.memory_space<vmem>>, vector<1x512xf32>
    %mul3A_323 = vector.broadcast %get3A_322 : vector<1x512xf32> to vector<256x512xf32>
    %mul3A_324 = arith.mulf %add3A_319, %mul3A_323 : vector<256x512xf32>
    %reduce_sum3A_325 = arith.constant dense<0.000000e+00> : vector<256xf32>
    %reduce_sum3A_326 = vector.multi_reduction <add>, %mul3A_324, %reduce_sum3A_325 [1] : vector<256x512xf32> to vector<256xf32>
    %broadcast_in_dim3A_327 = vector.shape_cast %reduce_sum3A_326 : vector<256xf32> to vector<256x1xf32>
    %get3A_328 = arith.constant 0 : index
    %get3A_329 = arith.constant 1 : index
    %get3A_330 = vector.load %arg22[%get3A_328, %get3A_329] : memref<1x128xf32, #tpu.memory_space<vmem>>, vector<1x1xf32>
    %get3A_331 = vector.extract %get3A_330[0, 0] : f32 from vector<1x1xf32>
    %add3A_332 = vector.broadcast %get3A_331 : f32 to vector<256x1xf32>
    %add3A_333 = arith.addf %broadcast_in_dim3A_327, %add3A_332 : vector<256x1xf32>
    %broadcast_in_dim3A_334 = vector.shape_cast %add3A_333 : vector<256x1xf32> to vector<256x1xf32>
    %broadcast_in_dim3A_335 = vector.broadcast %broadcast_in_dim3A_334 : vector<256x1xf32> to vector<256x128xf32>
    %swap3A = arith.constant 0 : index
    %swap3A_336 = arith.constant 0 : index
    %swap3A_337 = vector.load %arg23[%swap3A, %swap3A_336] : memref<256x128xf32, #tpu.memory_space<vmem>>, vector<256x128xf32>
    tpu.vector_store %arg23[%swap3A, %swap3A_336], %broadcast_in_dim3A_335 {strides = array<i32>} : memref<256x128xf32, #tpu.memory_space<vmem>>, vector<256x128xf32>,
    return
  }
}

</mosaic_0001>

<sc_bundles>
// kernel: kernel.7.cloned.1.call-start
scs
__scs_entry_jumppad:
0x0: {  	(pc) =	sbr.rel $0x88, $3  }
0x1: {  	(tag) =	ssettag $0x0;
	lr =	simm.s32 $0x1  }
0x2: {  	[smem:$0x3F77] =	sst lr;
	_ =	strace $0xD0000000  }
0x3: {  	_ = 	snop  }
0x4: {  	_ = 	snop  }
0x5: {  	_ = 	snop  }
0x6: {  	_ = 	snop  }
0x7: {  	_ = 	snop  }
__scs_overlays_trampoline_lowered:
0x8: {  	[smem:$0x3F86] =	sst s0  }
0x9: {  	[smem:$0x3F87] =	sst s1  }
0xa: {  	[smem:$0x3F88] =	sst s2  }
0xb: {  	[smem:$0x3F89] =	sst s3  }
0xc: {  	[smem:$0x3F8A] =	sst s4  }
0xd: {  	[smem:$0x3F8B] =	sst s5  }
0xe: {  	[smem:$0x3F8C] =	sst s6  }
0xf: {  	[smem:$0x3F8D] =	sst s7  }
0x10: {  	[smem:$0x3F8E] =	sst s8  }
0x11: {  	[smem:$0x3F8F] =	sst s9;
	s0 =	simm.s32 @!p0 $0x0  }
0x12: {  	s1 =	sld [smem:$0x3F75];
	s0 =	simm.s32 @p0 $0x1  }
0x13: {  	[smem:$0x3F90] =	sst s0;
	s0 =	simm.s32 @!p1 $0x0  }
0x14: {  	s2 =	sld [smem:$0x3F74];
	s0 =	simm.s32 @p1 $0x1  }
0x15: {  	[smem:$0x3F91] =	sst s0;
	s0 =	simm.s32 @!p2 $0x0  }
0x16: {  	s3 =	sld [smem:$0x3FDB];
	s0 =	simm.s32 @p2 $0x1  }
0x17: {  	s4 =	simm.s32 $0x1BF5;
	[smem:$0x3F93] =	sst s0  }
0x18: {  	s0 =	sld [smem:$0x3F76];
	_ =	swait.ge [sflag:s4], $0x0  }
0x19: {  	s7 =	sld [smem:$0x3F77]  }
0x1a: {  	s8 =	sadd.s32 $0xFFFFE003, lr  }
0x1b: {  	s9 =	sadd.s32 $0xFFFFFEF7, lr;
	s5 =	simm.s32 $0xFFFFFFFF;
	p2 =	slt.u32 s8, $0xFFFFF086  }
0x1c: {  	p1 =	slt.u32 s9, $0xF7A;
	s5 =	simm.s32 @!p2 $0x0  }
0x1d: {  	s5 =	simm.s32 @p1 $0x1;
	p0 =	seq.s32 s7, s2  }
0x1e: {  	s7 =	smul.u32 @!p0 $0xF7A, s2;
	p2 =	seq.s32 @!p0 s5, $0x0  }
0x1f: {  	s9 =	smul.u32 $0xF7A, s1;
	s8 =	simm.s32 @!p0 $0x1BF5;
	p2 =	por !p2, p0  }
0x20: {  	[sflag:s8] =	ssyncset.s32 @!p0 $0xFFFFF086;
	s6 =	sadd.s32 @!p0 s3, s7;
	s7 =	simm.s32 @!p0 $0x108  }
0x21: {  	s3 =	sadd.s32 s3, s9;
	s6 =	sadd.s32 @!p0 $0x88, s6;
	s7 =	simm.s32 @p2 $0x1082  }
0x22: {  	[simem:s7], [sflag:s8] =	dma.local @!p0 [hbm:s6], $0xF7A  }
0x23: {  	s9 =	sor.u32 $0xD0000000, s2;
	s6 =	simm.s32 $0x108;
	_ =	swait.ge @!p0 [sflag:s8], $0x0  }
0x24: {  	s3 =	sadd.s32 $0x88, s3;
	s6 =	simm.s32 @!p1 $0x1082;
	[sflag:s4] =	ssyncset.s32 $0xFFFFF086  }
0x25: {  	[simem:s6], [sflag:s4] =	dma.local [hbm:s3], $0xF7A  }
0x26: {  	[smem:$0x3F77] =	sst s1;
	(tag) =	ssettag s2;
	_ =	strace s9  }
0x27: {  	s1 =	sld [smem:$0x3F87]  }
0x28: {  	s2 =	sld [smem:$0x3F88]  }
0x29: {  	s4 =	sld [smem:$0x3F8A]  }
0x2a: {  	p0 =	seq.s32 s5, $0x0;
	s5 =	sld [smem:$0x3F8B]  }
0x2b: {  	s6 =	sld [smem:$0x3F8C]  }
0x2c: {  	s7 =	sld [smem:$0x3F8D]  }
0x2d: {  	s3 =	simm.s32 $0x108;
	s8 =	sld [smem:$0x3F8E]  }
0x2e: {  	s3 =	simm.s32 @!p0 $0x1082;
	s9 =	sld [smem:$0x3F8F]  }
0x2f: {  	lr =	sadd.s32 s0, s3;
	s0 =	sld [smem:$0x3F86]  }
0x30: {  	s3 =	sld [smem:$0x3F89]  }
0x31: {  	[smem:$0x3F92] =	sst s10  }
0x32: {  	s10 =	sld [smem:$0x3F90];
	_ =	sdelay $0x3  }
0x33: {  	p0 =	seq.s32 s10, $0x1;
	s10 =	sld [smem:$0x3F92];
	_ =	sdelay $0x3  }
0x34: {  	[smem:$0x3F92] =	sst s10  }
0x35: {  	s10 =	sld [smem:$0x3F91];
	_ =	sdelay $0x3  }
0x36: {  	p1 =	seq.s32 s10, $0x1;
	s10 =	sld [smem:$0x3F92];
	_ =	sdelay $0x3  }
0x37: {  	[smem:$0x3F92] =	sst s10  }
0x38: {  	s10 =	sld [smem:$0x3F93]  }
0x39: {  	_ = 	snop;
	(pc) =	sbr.ind lr, $3  }
0x3a: {  	_ = 	snop  }
0x3b: {  	_ = 	snop  }
0x3c: {  	p2 =	seq.s32 s10, $0x1;
	s10 =	sld [smem:$0x3F92]  }
0x3d: {  	_ =	shalt  }
0x3e: {  	_ =	shalt  }
0x3f: {  	_ =	shalt  }
0x40: {  	_ =	shalt  }
0x41: {  	_ =	shalt  }
0x42: {  	_ =	shalt  }
0x43: {  	_ =	shalt  }
0x44: {  	_ =	shalt  }
0x45: {  	_ =	shalt  }
0x46: {  	_ =	shalt  }
0x47: {  	_ =	shalt  }
0x48: {  	_ =	shalt  }
0x49: {  	_ =	shalt  }
0x4a: {  	_ =	shalt  }
0x4b: {  	_ =	shalt  }
0x4c: {  	_ =	shalt  }
0x4d: {  	_ =	shalt  }
0x4e: {  	_ =	shalt  }
0x4f: {  	_ =	shalt  }
0x50: {  	_ =	shalt  }
0x51: {  	_ =	shalt  }
0x52: {  	_ =	shalt  }
0x53: {  	_ =	shalt  }
0x54: {  	_ =	shalt  }
0x55: {  	_ =	shalt  }
0x56: {  	_ =	shalt  }
0x57: {  	_ =	shalt  }
0x58: {  	_ =	shalt  }
0x59: {  	_ =	shalt  }
0x5a: {  	_ =	shalt  }
0x5b: {  	_ =	shalt  }
0x5c: {  	_ =	shalt  }
0x5d: {  	_ =	shalt  }
0x5e: {  	_ =	shalt  }
0x5f: {  	_ =	shalt  }
0x60: {  	_ =	shalt  }
0x61: {  	_ =	shalt  }
0x62: {  	_ =	shalt  }
0x63: {  	_ =	shalt  }
0x64: {  	_ =	shalt  }
0x65: {  	_ =	shalt  }
0x66: {  	_ =	shalt  }
0x67: {  	_ =	shalt  }
0x68: {  	_ =	shalt  }
0x69: {  	_ =	shalt  }
0x6a: {  	_ =	shalt  }
0x6b: {  	_ =	shalt  }
0x6c: {  	_ =	shalt  }
0x6d: {  	_ =	shalt  }
0x6e: {  	_ =	shalt  }
0x6f: {  	_ =	shalt  }
0x70: {  	_ =	shalt  }
0x71: {  	_ =	shalt  }
0x72: {  	_ =	shalt  }
0x73: {  	_ =	shalt  }
0x74: {  	_ =	shalt  }
0x75: {  	_ =	shalt  }
0x76: {  	_ =	shalt  }
0x77: {  	_ =	shalt  }
0x78: {  	_ =	shalt  }
0x79: {  	_ =	shalt  }
0x7a: {  	_ =	shalt  }
0x7b: {  	_ =	shalt  }
0x7c: {  	_ =	shalt  }
0x7d: {  	_ =	shalt  }
0x7e: {  	_ =	shalt  }
0x7f: {  	_ =	shalt  }
0x80: {  	_ =	shalt  }
0x81: {  	_ =	shalt  }
0x82: {  	_ =	shalt  }
0x83: {  	_ =	shalt  }
0x84: {  	_ =	shalt  }
0x85: {  	_ =	shalt  }
0x86: {  	_ =	shalt  }
0x87: {  	_ =	shalt  }
.Lfunc_end0:
.L_simem_size_0:
called_computation_lowered:
.L_overlay_start_0:
0x88: {  	s2 =	sld [smem:$0x3FD9]  }
0x89: {  	s3 =	sld [smem:$0x3FFE];
	_ =	sdelay $0x1  }
0x8a: {  	s1 =	srdreg.scid  }
0x8b: {  	s0 =	sand.u32 $0x1, s1  }
0x8c: {  	s16 =	sshll.u32 s0, $0xA;
	s2 =	sadd.s32 s3, s2  }
0x8d: {  	s2 =	sadd.s32 s2, s16  }
0x8e: {  	[smem:$0x3F9E] =	sst s2  }
0x8f: {  	_ = 	snop  }
0x90: {  	(tm) =	ssettm $0x1  }
0x91: {  	s17 =	sld [smem:$0x3FFB];
	_ =	sdelay $0x3  }
0x92: {  	_ =	strace s17  }
0x93: {  	s2 =	sld [smem:$0x3FFC];
	_ =	sdelay $0x3  }
0x94: {  	_ =	strace s2  }
0x95: {  	s2 =	sld [smem:$0x3FFD];
	_ =	sdelay $0x3  }
0x96: {  	_ =	strace s2  }
0x97: {  	_ =	strace $0x8FFFFFFF  }
0x98: {  	s18 =	sld [smem:$0x3FDB];
	_ =	sdelay $0x1  }
0x99: {  	s19 =	simm.s32 $_scs_section_size  }
0x9a: {  	s4 =	simm.s32 $_size__tile_overlayer_lowered;
	s5 =	simm.s32 $_tile_overlayer_lowered  }
0x9b: {  	s22 =	simm.s32 $0x1BFF;
	s21 =	sshll.u32 s5, $0x1;
	s2 =	sadd.s32 s19, s18  }
0x9c: {  	s6 =	simm.s32 $0x0;
	s20 =	sshll.u32 s4, $0x1;
	s4 =	sadd.s32 s21, s2  }
0x9d: {  	[timem:s6], [sflag:s22] =	dma.local [hbm:s4], s20  }
0x9e: {  	_ =	swait.ge [sflag:s22], s20  }
0x9f: {  	s3 =	ssub.s32 $0x0, s20;
	[sflag:s22] =	ssyncset.done $0x0  }
0xa0: {  	[sflag:s22] =	ssyncadd.s32 s3;
	_ =	sdelay $0x1  }
0xa1: {  	s23 =	simm.s32 $0x1B8B  }
0xa2: {  	_ =	swait.ge [sflag:s23], $0x1  }
0xa3: {  	[sflag:s23] =	ssyncset.done $0x0  }
0xa4: {  	s25 =	simm.s32 $0x1B8E;
	s24 =	sld [smem:$0x3FFE];
	[sflag:s23] =	ssyncadd.s32 $0xFFFFFFFF  }
0xa5: {  	s26 =	simm.s32 $execute0_lowered;
	[smem:$0x3FD2] =	sst s25  }
0xa6: {  	s4 =	sshll.u32 s26, $0x1;
	_ =	strace $0x80000046;
	[dreg:$0x1] =	wrdreg $0xFFFFFFFF  }
0xa7: {  	s28 =	simm.s32 $_size_execute0_lowered;
	s2 =	sadd.s32 s2, s4;
	[dreg:$0x0] =	wrdreg $0x0  }
0xa8: {  	s4 =	sshll.u32 s28, $0x1;
	[dreg:$0x2] =	wrdreg s2  }
0xa9: {  	[dreg:$0x3] =	wrdreg s4  }
0xaa: {  	[dreg:$0x4] =	wrdreg $0xC0  }
0xab: {  	_ =	task [dreg:s6], $0x5FFFF  }
0xac: {  	[dreg:$0x1] =	wrdreg $0xFFFFFFFF  }
0xad: {  	[dreg:$0x0] =	wrdreg $0x60  }
0xae: {  	[dreg:$0x2] =	wrdreg s24  }
0xaf: {  	[dreg:$0x3] =	wrdreg $0xB2800  }
0xb0: {  	[dreg:$0x4] =	wrdreg $0x9  }
0xb1: {  	_ =	task.clear_ibuf [dreg:s6], $0x5FFFF;
	_ =	strace $0x90000046  }
0xb2: {  	s29 =	simm.s32 $0x9;
	_ =	strace $0x80000048  }
0xb3: {  	_ =	swait.ge [sflag:s29], $0x1  }
0xb4: {  	[sflag:s29] =	ssyncadd.s32 $0xFFFFFFFF  }
0xb5: {  	_ =	strace $0x90000048  }
0xb6: {  	_ =	sfence  }
0xb7: {  	s30 =	sld [smem:$0x0];
	_ =	sdelay $0x2  }
0xb8: {  	s31 =	sshll.u32 s1, $0xD;
	s1 =	sshrl.u32 s1, $0x2  }
0xb9: {  	s3 =	sand.u32 $0x4000, s31;
	s1 =	sadd.s32 s1, s30  }
0xba: {  	s0 =	sor.u32 s3, s0;
	s1 =	sshll.u32 s1, $0x11  }
0xbb: {  	s0 =	sor.u32 s1, s0  }
0xbc: {  	s0 =	sadd.s32 $0x8F2B, s0  }
0xbd: {  	[sflag:s0] =	ssyncadd.remote.s32 $0x1  }
0xbe: {  	_ =	sfence.sel $0xFFFF  }
0xbf: {  	[dreg:$0x0] =	wrdreg $0xFFFFFFFF;
	(pc) =	sbr.abs _section_cstart, $3  }
0xc0: {  	[dreg:$0x1] =	wrdreg $0xFFFFFFFF  }
0xc1: {  	_ =	task.clear_ibuf [dreg:s6], $0x2FFFF;
	_ =	strace $0x9FFFFFFF  }
0xc2: {  	(tm) =	ssettm $0x7FFFFFFF  }
0xc3: {  	_ =	shalt  }
tec
execute0_lowered:
.L_overlay_start_1:
0x0: {  	(tag) =	ssettag $0x1  }
0x1: {  	s0 =	rddreg [dreg:$0x0]  }
0x2: {  	s3 =	srdreg.scid;
	s13 =	stileid.u32  }
0x3: {  	s1 =	rddreg [dreg:$0x1];
	s3 =	sand.u32 $0x1, s3;
	s8 =	smul.u32 $0x14000, s13  }
0x4: {  	s2 =	simm.s32 $0x0;
	s10 =	smul.u32 $0x50000, s13;
	s19 =	ssub.s32 $0x2, s3  }
0x5: {  	s28 =	simm.s32 $0x0;
	s7 =	smul.u32 $0x140000, s3;
	s12 =	sshrl.u32 s19, $0x1  }
0x6: {  	[smem:$0x7FF] =	sst s2;
	s21 =	sshrl.u32 s10, $0x2;
	s20 =	ssub.s32 s19, s12  }
0x7: {  	s7 =	sadd.s32 s8, s7;
	s8 =	sadd.s32 s21, s1;
	s25 =	smax.u32 s20, $0x1  }
0x8: {  	_ =	strace $0x80000047;
	s26 =	sadd.s32 $0x1000, s8;
	[dreg:$0x5] =	wrdreg s25  }
0x9: {  	s4 =	sadd.s32 $0x276200, s0;
	s29 =	sadd.s32 $0x2000, s8;
	[dreg:$0x6] =	wrdreg s26  }
0xa: {  	s5 =	sadd.s32 $0x29E200, s0;
	s30 =	sadd.s32 $0x3000, s8;
	[dreg:$0x7] =	wrdreg s29  }
0xb: {  	s9 =	sadd.s32 $0x5200, s0;
	s31 =	sadd.s32 $0x4000, s8;
	[dreg:$0x8] =	wrdreg s30  }
0xc: {  	s6 =	sadd.s32 $0xA200, s0;
	s12 =	sadd.s32 $0x6000, s8;
	[dreg:$0x9] =	wrdreg s31  }
0xd: {  	s15 =	smul.u32 $0x500, s13;
	s14 =	sadd.s32 $0x7000, s8;
	[dreg:$0xb] =	wrdreg s12  }
0xe: {  	p0 =	seq.s32 s3, $0x1;
	s16 =	sadd.s32 $0x8000, s8;
	[dreg:$0xc] =	wrdreg s14  }
0xf: {  	s11 =	sshrl.u32 s7, $0x3;
	s17 =	sadd.s32 $0x9000, s8;
	[dreg:$0xd] =	wrdreg s16  }
0x10: {  	s7 =	smul.u32 $0x2800, s13;
	s19 =	sadd.s32 $0xA000, s8;
	[dreg:$0xe] =	wrdreg s17  }
0x11: {  	s20 =	sadd.s32 $0xB000, s8;
	s21 =	sadd.s32 $0xC000, s8;
	[dreg:$0x11] =	wrdreg s19  }
0x12: {  	s10 =	sadd.s32 $0x12000, s8;
	s13 =	simm.s32 $0x8200;
	[dreg:$0x12] =	wrdreg s20  }
0x13: {  	s0 =	sadd.s32 s11, s0;
	s11 =	sadd.s32 $0x5000, s8;
	[dreg:$0x13] =	wrdreg s21  }
0x14: {  	s26 =	sadd.s32 $0xE000, s8;
	s29 =	sadd.s32 $0xF000, s8;
	s30 =	sadd.s32 $0x10000, s8  }
0x15: {  	s31 =	sadd.s32 $0x11000, s8;
	s21 =	sadd.s32 $0x13000, s8;
	[dreg:$0xa] =	wrdreg s11  }
0x16: {  	s12 =	simm.s32 $0xA200;
	s14 =	simm.s32 $0x40;
	[dreg:$0x15] =	wrdreg s26  }
0x17: {  	s16 =	simm.s32 $0x100;
	s17 =	simm.s32 $0x80;
	[dreg:$0x16] =	wrdreg s29  }
0x18: {  	s19 =	simm.s32 $0x4200;
	s20 =	simm.s32 $0x1;
	[dreg:$0x17] =	wrdreg s30  }
0x19: {  	s22 =	sshrl.u32 s7, $0x3;
	s25 =	sadd.s32 $0xF200, s0;
	[dreg:$0x18] =	wrdreg s31  }
0x1a: {  	s11 =	simm.s32 $0x3;
	s26 =	simm.s32 $0x2;
	s23 =	sadd.s32 s9, s22  }
0x1b: {  	s24 =	sadd.s32 s6, s22;
	s3 =	sadd.s32 $0x4F0, s22;
	[dreg:$0x3] =	wrdreg s23  }
0x1c: {  	s22 =	sadd.s32 $0xD000, s8;
	[dreg:$0x4] =	wrdreg s24;
	s18 =	sadd.s32 s9, s3  }
0x1d: {  	s3 =	sadd.s32 s6, s3;
	s23 =	sadd.s32 s15, s9;
	[dreg:$0x14] =	wrdreg s22  }
0x1e: {  	s24 =	sadd.s32 s15, s6;
	s22 =	simm.s32 $0xA280;
	[dreg:$0xf] =	wrdreg s18  }
0x1f: {  	v0 =	vimm.f32 $0.0e+00;
	s15 =	simm.s32 $0x200;
	[dreg:$0x10] =	wrdreg s3;
	s18 =	simm.s32 $0x180  }
.LBB2_1:
0x20: {  	s29 =	simm.s32 $0x0;
	s30 =	simm.s32 $0x200  }
.LBB2_2:
0x21: {  	p1 =	sne.s32 s30, $0x3E00;
	[tilespmem:s29+$0xA2F0] =	vst v0  }
0x22: {  	[tilespmem:s29+$0xA280] =	vst v0  }
0x23: {  	[tilespmem:s29+$0xA290] =	vst v0  }
.Ltmp0:
0x24: {  	[tilespmem:s29+$0xA2A0] =	vst v0;
	(pc) =	sbr.rel @p1 .LBB2_2-.Ltmp0, $4  }
0x25: {  	[tilespmem:s29+$0xA2B0] =	vst v0  }
0x26: {  	[tilespmem:s29+$0xA2C0] =	vst v0  }
0x27: {  	[tilespmem:s29+$0xA2D0] =	vst v0  }
0x28: {  	[tilespmem:s29+$0xA2E0] =	vst v0;
	s29 =	sshra.s32 s30, $0x2;
	s30 =	sadd.s32 $0x200, s30  }
0x29: {  	[tilespmem:s29+$0xA2F0] =	vst v0  }
0x2a: {  	[tilespmem:s29+$0xA280] =	vst v0  }
0x2b: {  	[tilespmem:s29+$0xA290] =	vst v0  }
0x2c: {  	[tilespmem:s29+$0xA2A0] =	vst v0  }
0x2d: {  	[tilespmem:s29+$0xA2B0] =	vst v0  }
0x2e: {  	[tilespmem:s29+$0xA2C0] =	vst v0  }
0x2f: {  	[tilespmem:s29+$0xA2D0] =	vst v0  }
0x30: {  	[tilespmem:s29+$0xA2E0] =	vst v0  }
0x31: {  	[spmem:s8] =	stream.linear.scatter [tilespmem:s22], [sflag:$0x3], $0x1000, $0x38;
	[tilespmem:$0x1F280] =	vst v63  }
0x32: {  	_ =	swait.ge [sflag:s11], $0x1000  }
0x33: {  	[sflag:s11] =	ssyncset.done $0x0  }
0x34: {  	s0 =	rddreg [dreg:$0x6];
	[sflag:s11] =	ssyncadd.s32 $0xFFFFF000  }
0x35: {  	[spmem:s0] =	stream.linear.scatter [tilespmem:s22], [sflag:$0x3], $0x1000, $0x38;
	[tilespmem:$0x1F280] =	vst v63  }
0x36: {  	_ =	swait.ge [sflag:s11], $0x1000  }
0x37: {  	[sflag:s11] =	ssyncset.done $0x0  }
0x38: {  	s3 =	rddreg [dreg:$0x7];
	[sflag:s11] =	ssyncadd.s32 $0xFFFFF000  }
0x39: {  	[spmem:s3] =	stream.linear.scatter [tilespmem:s22], [sflag:$0x3], $0x1000, $0x38;
	[tilespmem:$0x1F280] =	vst v63  }
0x3a: {  	_ =	swait.ge [sflag:s11], $0x1000  }
0x3b: {  	[sflag:s11] =	ssyncset.done $0x0  }
0x3c: {  	s9 =	rddreg [dreg:$0x8];
	[sflag:s11] =	ssyncadd.s32 $0xFFFFF000  }
0x3d: {  	[spmem:s9] =	stream.linear.scatter [tilespmem:s22], [sflag:$0x3], $0x1000, $0x38;
	[tilespmem:$0x1F280] =	vst v63  }
0x3e: {  	_ =	swait.ge [sflag:s11], $0x1000  }
0x3f: {  	[sflag:s11] =	ssyncset.done $0x0  }
0x40: {  	s30 =	rddreg [dreg:$0x9];
	[sflag:s11] =	ssyncadd.s32 $0xFFFFF000  }
0x41: {  	[spmem:s30] =	stream.linear.scatter [tilespmem:s22], [sflag:$0x3], $0x1000, $0x38;
	[tilespmem:$0x1F280] =	vst v63  }
0x42: {  	_ =	swait.ge [sflag:s11], $0x1000  }
0x43: {  	[sflag:s11] =	ssyncset.done $0x0  }
0x44: {  	s31 =	rddreg [dreg:$0xa];
	[sflag:s11] =	ssyncadd.s32 $0xFFFFF000  }
0x45: {  	[spmem:s31] =	stream.linear.scatter [tilespmem:s22], [sflag:$0x3], $0x1000, $0x38;
	[tilespmem:$0x1F280] =	vst v63  }
0x46: {  	_ =	swait.ge [sflag:s11], $0x1000  }
0x47: {  	[sflag:s11] =	ssyncset.done $0x0  }
0x48: {  	s3 =	rddreg [dreg:$0xb];
	[sflag:s11] =	ssyncadd.s32 $0xFFFFF000  }
0x49: {  	[spmem:s3] =	stream.linear.scatter [tilespmem:s22], [sflag:$0x3], $0x1000, $0x38;
	[tilespmem:$0x1F280] =	vst v63  }
0x4a: {  	_ =	swait.ge [sflag:s11], $0x1000  }
0x4b: {  	[sflag:s11] =	ssyncset.done $0x0  }
0x4c: {  	s9 =	rddreg [dreg:$0xc];
	[sflag:s11] =	ssyncadd.s32 $0xFFFFF000  }
0x4d: {  	[spmem:s9] =	stream.linear.scatter [tilespmem:s22], [sflag:$0x3], $0x1000, $0x38;
	[tilespmem:$0x1F280] =	vst v63  }
0x4e: {  	_ =	swait.ge [sflag:s11], $0x1000  }
0x4f: {  	[sflag:s11] =	ssyncset.done $0x0  }
0x50: {  	s30 =	rddreg [dreg:$0xd];
	[sflag:s11] =	ssyncadd.s32 $0xFFFFF000  }
0x51: {  	[spmem:s30] =	stream.linear.scatter [tilespmem:s22], [sflag:$0x3], $0x1000, $0x38;
	[tilespmem:$0x1F280] =	vst v63  }
0x52: {  	_ =	swait.ge [sflag:s11], $0x1000  }
0x53: {  	[sflag:s11] =	ssyncset.done $0x0  }
0x54: {  	s31 =	rddreg [dreg:$0xe];
	[sflag:s11] =	ssyncadd.s32 $0xFFFFF000  }
0x55: {  	[spmem:s31] =	stream.linear.scatter [tilespmem:s22], [sflag:$0x3], $0x1000, $0x38;
	[tilespmem:$0x1F280] =	vst v63  }
0x56: {  	_ =	swait.ge [sflag:s11], $0x1000  }
0x57: {  	[sflag:s11] =	ssyncset.done $0x0  }
0x58: {  	s3 =	rddreg [dreg:$0x11];
	[sflag:s11] =	ssyncadd.s32 $0xFFFFF000  }
0x59: {  	[spmem:s3] =	stream.linear.scatter [tilespmem:s22], [sflag:$0x3], $0x1000, $0x38;
	[tilespmem:$0x1F280] =	vst v63  }
0x5a: {  	_ =	swait.ge [sflag:s11], $0x1000  }
0x5b: {  	[sflag:s11] =	ssyncset.done $0x0  }
0x5c: {  	s9 =	rddreg [dreg:$0x12];
	[sflag:s11] =	ssyncadd.s32 $0xFFFFF000  }
0x5d: {  	[spmem:s9] =	stream.linear.scatter [tilespmem:s22], [sflag:$0x3], $0x1000, $0x38;
	[tilespmem:$0x1F280] =	vst v63  }
0x5e: {  	_ =	swait.ge [sflag:s11], $0x1000  }
0x5f: {  	[sflag:s11] =	ssyncset.done $0x0  }
0x60: {  	s30 =	rddreg [dreg:$0x13];
	[sflag:s11] =	ssyncadd.s32 $0xFFFFF000  }
0x61: {  	[spmem:s30] =	stream.linear.scatter [tilespmem:s22], [sflag:$0x3], $0x1000, $0x38;
	[tilespmem:$0x1F280] =	vst v63  }
0x62: {  	_ =	swait.ge [sflag:s11], $0x1000  }
0x63: {  	[sflag:s11] =	ssyncset.done $0x0  }
0x64: {  	s31 =	rddreg [dreg:$0x14];
	[sflag:s11] =	ssyncadd.s32 $0xFFFFF000  }
0x65: {  	[spmem:s31] =	stream.linear.scatter [tilespmem:s22], [sflag:$0x3], $0x1000, $0x38;
	[tilespmem:$0x1F280] =	vst v63  }
0x66: {  	_ =	swait.ge [sflag:s11], $0x1000  }
0x67: {  	[sflag:s11] =	ssyncset.done $0x0  }
0x68: {  	s3 =	rddreg [dreg:$0x15];
	[sflag:s11] =	ssyncadd.s32 $0xFFFFF000  }
0x69: {  	[spmem:s3] =	stream.linear.scatter [tilespmem:s22], [sflag:$0x3], $0x1000, $0x38;
	[tilespmem:$0x1F280] =	vst v63  }
0x6a: {  	_ =	swait.ge [sflag:s11], $0x1000  }
0x6b: {  	[sflag:s11] =	ssyncset.done $0x0  }
0x6c: {  	s9 =	rddreg [dreg:$0x16];
	[sflag:s11] =	ssyncadd.s32 $0xFFFFF000  }
0x6d: {  	[spmem:s9] =	stream.linear.scatter [tilespmem:s22], [sflag:$0x3], $0x1000, $0x38;
	[tilespmem:$0x1F280] =	vst v63  }
0x6e: {  	_ =	swait.ge [sflag:s11], $0x1000  }
0x6f: {  	[sflag:s11] =	ssyncset.done $0x0  }
0x70: {  	s30 =	rddreg [dreg:$0x17];
	[sflag:s11] =	ssyncadd.s32 $0xFFFFF000  }
0x71: {  	[spmem:s30] =	stream.linear.scatter [tilespmem:s22], [sflag:$0x3], $0x1000, $0x38;
	[tilespmem:$0x1F280] =	vst v63  }
0x72: {  	_ =	swait.ge [sflag:s11], $0x1000  }
0x73: {  	[sflag:s11] =	ssyncset.done $0x0  }
0x74: {  	s31 =	rddreg [dreg:$0x18];
	[sflag:s11] =	ssyncadd.s32 $0xFFFFF000  }
0x75: {  	[spmem:s31] =	stream.linear.scatter [tilespmem:s22], [sflag:$0x3], $0x1000, $0x38;
	[tilespmem:$0x1F280] =	vst v63  }
0x76: {  	_ =	swait.ge [sflag:s11], $0x1000  }
0x77: {  	[sflag:s11] =	ssyncset.done $0x0  }
0x78: {  	[sflag:s11] =	ssyncadd.s32 $0xFFFFF000  }
0x79: {  	[spmem:s10] =	stream.linear.scatter [tilespmem:s22], [sflag:$0x3], $0x1000, $0x38;
	[tilespmem:$0x1F280] =	vst v63  }
0x7a: {  	_ =	swait.ge [sflag:s11], $0x1000  }
0x7b: {  	[sflag:s11] =	ssyncset.done $0x0  }
0x7c: {  	[sflag:s11] =	ssyncadd.s32 $0xFFFFF000  }
0x7d: {  	[spmem:s21] =	stream.linear.scatter [tilespmem:s22], [sflag:$0x3], $0x1000, $0x38;
	[tilespmem:$0x1F280] =	vst v63  }
.Ltmp1:
0x7e: {  	_ =	swait.ge [sflag:s11], $0x1000;
	(pc) =	sbr.rel @!p0 .LBB2_4-.Ltmp1, $4  }
0x7f: {  	[sflag:s11] =	ssyncset.done $0x0  }
0x80: {  	[sflag:s11] =	ssyncadd.s32 $0xFFFFF000  }
0x81: {  	[bflag:$0x0] =	sbarrier.arrive $0xFFFF  }
0x82: {  	s29 =	simm.s32 $0x0  }
0x83: {  	s30 =	sshra.s32 s29, $0x2;
	s31 =	sadd.s32 $0x200, s29  }
.LBB2_8:
0x84: {  	p1 =	sne.s32 s31, $0x7E00;
	[tilespmem:s30+$0x270] =	vst v0  }
0x85: {  	[tilespmem:s30+$0x200] =	vst v0  }
0x86: {  	[tilespmem:s30+$0x210] =	vst v0  }
.Ltmp2:
0x87: {  	[tilespmem:s30+$0x220] =	vst v0;
	(pc) =	sbr.rel @p1 .LBB2_8-.Ltmp2, $4  }
0x88: {  	[tilespmem:s30+$0x230] =	vst v0  }
0x89: {  	[tilespmem:s30+$0x240] =	vst v0  }
0x8a: {  	[tilespmem:s30+$0x250] =	vst v0  }
0x8b: {  	[tilespmem:s30+$0x260] =	vst v0;
	s30 =	sshra.s32 s31, $0x2;
	s31 =	sadd.s32 $0x200, s31  }
0x8c: {  	[tilespmem:s30+$0x270] =	vst v0  }
0x8d: {  	[tilespmem:s30+$0x200] =	vst v0  }
0x8e: {  	[tilespmem:s30+$0x210] =	vst v0  }
0x8f: {  	[tilespmem:s30+$0x220] =	vst v0  }
0x90: {  	[tilespmem:s30+$0x230] =	vst v0  }
0x91: {  	[tilespmem:s30+$0x240] =	vst v0  }
0x92: {  	[tilespmem:s30+$0x250] =	vst v0  }
0x93: {  	[tilespmem:s30+$0x260] =	vst v0  }
.LBB2_10:
0x94: {  	s0 =	sshll.u32 s29, $0x6  }
0x95: {  	s0 =	sadd.s32 s7, s0  }
0x96: {  	s3 =	sshrl.u32 s0, $0x3  }
0x97: {  	s9 =	simm.s32 $0x0;
	s3 =	sadd.s32 s6, s3  }
0x98: {  	[tilespmem:s12], [sflag:$0x3] =	stream.linear.gather [hbm4b:s3+s9], $0x40, $0x38;
	[tilespmem:$0x1F280] =	vst v63  }
0x99: {  	_ =	swait.ge [sflag:s11], $0x40  }
0x9a: {  	s0 =	sshll.u32 s0, $0x4;
	[sflag:s11] =	ssyncset.done $0x0  }
0x9b: {  	s0 =	sadd.s32 s5, s0;
	[sflag:s11] =	ssyncadd.s32 $0xFFFFFFC0  }
0x9c: {  	[tilespmem:s13], [sflag:$0x3] =	stream.linear.gather [hbm4b:s0+s9], $0x2000, $0x38;
	[tilespmem:$0x1F280] =	vst v63  }
0x9d: {  	_ =	swait.ge [sflag:s11], $0x2000  }
0x9e: {  	[sflag:s11] =	ssyncset.done $0x0  }
0x9f: {  	s0 =	simm.s32 $0x0;
	[sflag:s11] =	ssyncadd.s32 $0xFFFFE000  }
0xa0: {  	s30 =	simm.s32 $0x200;
	v1 =	vld [tilespmem:s0+$0x8200]  }
.LBB2_11:
0xa1: {  	p1 =	sne.s32 s30, $0x7E00  }
.Ltmp3:
0xa2: {  	_ = 	snop;
	(pc) =	sbr.rel @p1 .LBB2_11-.Ltmp3, $3  }
0xa3: {  	_ =	sdelay $0x1  }
0xa4: {  	[tilespmem:s0+$0x200] =	vst v1;
	s0 =	sshra.s32 s30, $0x2;
	s30 =	sadd.s32 $0x200, s30  }
0xa5: {  	v1 =	vld [tilespmem:s0+$0x8200]  }
0xa6: {  	_ =	sdelay $0x2  }
0xa7: {  	s29 =	sadd.s32 $0x1, s29  }
0xa8: {  	p1 =	seq.s32 s29, $0xA0;
	[tilespmem:s0+$0x200] =	vst v1  }
0xa9: {  	[spmem:s1] =	stream.indirect.scatter.add.f32 [tilespmem:s15], [sflag:$0x3], $0x80, s12, s14, $0xb8;
	[tilespmem:$0x1F280] =	vst v63  }
.Ltmp4:
0xaa: {  	_ = 	snop;
	(pc) =	sbr.rel @!p1 .LBB2_10-.Ltmp4, $4  }
.Ltmp5:
0xab: {  	_ = 	snop;
	(pc) =	sbr.rel @p1 .LBB2_13-.Ltmp5, $4  }
0xac: {  	_ =	swait.ge [sflag:s11], $0x2000  }
0xad: {  	[sflag:s11] =	ssyncset.done $0x0  }
0xae: {  	[sflag:s11] =	ssyncadd.s32 $0xFFFFE000  }
0xaf: {  	_ = 	snop  }
.LBB2_4:
0xb0: {  	s0 =	rddreg [dreg:$0x3]  }
0xb1: {  	[tilespmem:s2], [sflag:$0x3] =	stream.linear.gather [hbm4b:s0+s2], $0x80, $0x38;
	[tilespmem:$0x1F280] =	vst v63  }
0xb2: {  	_ =	swait.ge [sflag:s11], $0x80  }
0xb3: {  	[sflag:s11] =	ssyncset.done $0x0  }
0xb4: {  	s9 =	rddreg [dreg:$0x4];
	[sflag:s11] =	ssyncadd.s32 $0xFFFFFF80  }
0xb5: {  	[tilespmem:s16], [sflag:$0x3] =	stream.linear.gather [hbm4b:s9+s2], $0x80, $0x38;
	[tilespmem:$0x1F280] =	vst v63  }
0xb6: {  	_ =	swait.ge [sflag:s11], $0x80  }
0xb7: {  	[sflag:s11] =	ssyncset.done $0x0  }
0xb8: {  	s3 =	sadd.s32 $0xFFFFFB20, s23;
	[sflag:s11] =	ssyncadd.s32 $0xFFFFFF80  }
0xb9: {  	[tilespmem:s15], [sflag:$0x1] =	stream.indirect.gather [hbm4b:s4+s17], $0x80, s2, s17, $0xb8;
	[tilespmem:$0x1F280] =	vst v63  }
0xba: {  	s29 =	sadd.s32 $0x4F0, s3  }
0xbb: {  	[tilespmem:s17], [sflag:$0x3] =	stream.linear.gather [hbm4b:s29+s2], $0x80, $0x38;
	[tilespmem:$0x1F280] =	vst v63  }
0xbc: {  	_ =	swait.ge [sflag:s11], $0x80  }
0xbd: {  	s29 =	sadd.s32 $0xFFFFFB20, s24;
	[sflag:s11] =	ssyncset.done $0x0  }
0xbe: {  	s30 =	sadd.s32 $0x4F0, s29;
	[sflag:s11] =	ssyncadd.s32 $0xFFFFFF80  }
0xbf: {  	[tilespmem:s18], [sflag:$0x3] =	stream.linear.gather [hbm4b:s30+s2], $0x80, $0x38;
	[tilespmem:$0x1F280] =	vst v63  }
0xc0: {  	_ =	swait.ge [sflag:s11], $0x80  }
0xc1: {  	[sflag:s11] =	ssyncset.done $0x0  }
0xc2: {  	[sflag:s11] =	ssyncadd.s32 $0xFFFFFF80  }
0xc3: {  	[tilespmem:s19], [sflag:$0x2] =	stream.indirect.gather [hbm4b:s4+s17], $0x80, s17, s17, $0xb8;
	[tilespmem:$0x1F280] =	vst v63  }
0xc4: {  	_ =	swait.ge [sflag:s20], $0x4000  }
0xc5: {  	[sflag:s20] =	ssyncset.done $0x0  }
0xc6: {  	[sflag:s20] =	ssyncadd.s32 $0xFFFFC000  }
0xc7: {  	[spmem:s1] =	stream.indirect.scatter.add.f32 [tilespmem:s15], [sflag:$0x3], $0x80, s16, s17, $0xb8;
	[tilespmem:$0x1F280] =	vst v63  }
0xc8: {  	_ =	swait.ge [sflag:s11], $0x4000  }
0xc9: {  	[sflag:s11] =	ssyncset.done $0x0  }
0xca: {  	s0 =	sadd.s32 $0x500, s3;
	[sflag:s11] =	ssyncadd.s32 $0xFFFFC000  }
0xcb: {  	[tilespmem:s2], [sflag:$0x3] =	stream.linear.gather [hbm4b:s0+s2], $0x80, $0x38;
	[tilespmem:$0x1F280] =	vst v63  }
0xcc: {  	_ =	swait.ge [sflag:s11], $0x80  }
0xcd: {  	[sflag:s11] =	ssyncset.done $0x0  }
0xce: {  	s9 =	sadd.s32 $0x500, s29;
	[sflag:s11] =	ssyncadd.s32 $0xFFFFFF80  }
0xcf: {  	[tilespmem:s16], [sflag:$0x3] =	stream.linear.gather [hbm4b:s9+s2], $0x80, $0x38;
	[tilespmem:$0x1F280] =	vst v63  }
0xd0: {  	_ =	swait.ge [sflag:s11], $0x80  }
0xd1: {  	[sflag:s11] =	ssyncset.done $0x0  }
0xd2: {  	[sflag:s11] =	ssyncadd.s32 $0xFFFFFF80  }
0xd3: {  	[tilespmem:s15], [sflag:$0x1] =	stream.indirect.gather [hbm4b:s4+s17], $0x80, s2, s17, $0xb8;
	[tilespmem:$0x1F280] =	vst v63  }
0xd4: {  	_ =	swait.ge [sflag:s26], $0x4000  }
0xd5: {  	[sflag:s26] =	ssyncset.done $0x0  }
0xd6: {  	[sflag:s26] =	ssyncadd.s32 $0xFFFFC000  }
0xd7: {  	[spmem:s1] =	stream.indirect.scatter.add.f32 [tilespmem:s19], [sflag:$0x3], $0x80, s18, s17, $0xb8;
	[tilespmem:$0x1F280] =	vst v63  }
0xd8: {  	s31 =	sadd.s32 $0xFFFFFB40, s23;
	_ =	swait.ge [sflag:s11], $0x4000  }
0xd9: {  	s29 =	simm.s32 $0xFFFFFB40;
	s30 =	simm.s32 $0xFFFFFB60;
	[sflag:s11] =	ssyncset.done $0x0  }
.LBB2_5:
0xda: {  	s3 =	sadd.s32 $0x4F0, s31  }
0xdb: {  	[sflag:s11] =	ssyncadd.s32 $0xFFFFC000;
	s9 =	smov.u32 s30;
	s0 =	sadd.s32 $0x20, s30  }
0xdc: {  	[tilespmem:s17], [sflag:$0x3] =	stream.linear.gather [hbm4b:s3+s2], $0x80, $0x38;
	[tilespmem:$0x1F280] =	vst v63  }
0xdd: {  	p1 =	seq.s32 s30, $0xFFFFFFE0;
	_ =	swait.ge [sflag:s11], $0x80  }
0xde: {  	s3 =	sadd.s32 s29, s24;
	s29 =	smov.u32 s9;
	[sflag:s11] =	ssyncset.done $0x0  }
0xdf: {  	s9 =	sadd.s32 $0x4F0, s3;
	[sflag:s11] =	ssyncadd.s32 $0xFFFFFF80  }
0xe0: {  	[tilespmem:s18], [sflag:$0x3] =	stream.linear.gather [hbm4b:s9+s2], $0x80, $0x38;
	[tilespmem:$0x1F280] =	vst v63  }
0xe1: {  	_ =	swait.ge [sflag:s11], $0x80  }
0xe2: {  	[sflag:s11] =	ssyncset.done $0x0  }
0xe3: {  	[sflag:s11] =	ssyncadd.s32 $0xFFFFFF80  }
0xe4: {  	[tilespmem:s19], [sflag:$0x2] =	stream.indirect.gather [hbm4b:s4+s17], $0x80, s17, s17, $0xb8;
	[tilespmem:$0x1F280] =	vst v63  }
0xe5: {  	_ =	swait.ge [sflag:s20], $0x4000  }
0xe6: {  	[sflag:s20] =	ssyncset.done $0x0  }
0xe7: {  	[sflag:s20] =	ssyncadd.s32 $0xFFFFC000  }
0xe8: {  	[spmem:s1] =	stream.indirect.scatter.add.f32 [tilespmem:s15], [sflag:$0x3], $0x80, s16, s17, $0xb8;
	[tilespmem:$0x1F280] =	vst v63  }
0xe9: {  	_ =	swait.ge [sflag:s11], $0x4000  }
0xea: {  	[sflag:s11] =	ssyncset.done $0x0  }
0xeb: {  	s9 =	sadd.s32 $0x500, s31;
	[sflag:s11] =	ssyncadd.s32 $0xFFFFC000  }
0xec: {  	[tilespmem:s2], [sflag:$0x3] =	stream.linear.gather [hbm4b:s9+s2], $0x80, $0x38;
	[tilespmem:$0x1F280] =	vst v63  }
0xed: {  	_ =	swait.ge [sflag:s11], $0x80  }
0xee: {  	[sflag:s11] =	ssyncset.done $0x0  }
0xef: {  	s3 =	sadd.s32 $0x500, s3;
	[sflag:s11] =	ssyncadd.s32 $0xFFFFFF80  }
0xf0: {  	[tilespmem:s16], [sflag:$0x3] =	stream.linear.gather [hbm4b:s3+s2], $0x80, $0x38;
	[tilespmem:$0x1F280] =	vst v63  }
0xf1: {  	_ =	swait.ge [sflag:s11], $0x80  }
0xf2: {  	[sflag:s11] =	ssyncset.done $0x0  }
0xf3: {  	[sflag:s11] =	ssyncadd.s32 $0xFFFFFF80  }
0xf4: {  	[tilespmem:s15], [sflag:$0x1] =	stream.indirect.gather [hbm4b:s4+s17], $0x80, s2, s17, $0xb8;
	[tilespmem:$0x1F280] =	vst v63  }
0xf5: {  	_ =	swait.ge [sflag:s26], $0x4000  }
.Ltmp6:
0xf6: {  	[sflag:s26] =	ssyncset.done $0x0;
	(pc) =	sbr.rel @!p1 .LBB2_5-.Ltmp6, $4  }
0xf7: {  	[sflag:s26] =	ssyncadd.s32 $0xFFFFC000  }
0xf8: {  	[spmem:s1] =	stream.indirect.scatter.add.f32 [tilespmem:s19], [sflag:$0x3], $0x80, s18, s17, $0xb8;
	[tilespmem:$0x1F280] =	vst v63  }
0xf9: {  	_ =	swait.ge [sflag:s11], $0x4000  }
0xfa: {  	s30 =	smov.u32 s0;
	s31 =	sadd.s32 s29, s23;
	[sflag:s11] =	ssyncset.done $0x0  }
0xfb: {  	s0 =	sadd.s32 $0x4F0, s31;
	[sflag:s11] =	ssyncadd.s32 $0xFFFFC000  }
0xfc: {  	[tilespmem:s17], [sflag:$0x3] =	stream.linear.gather [hbm4b:s0+s2], $0x80, $0x38;
	[tilespmem:$0x1F280] =	vst v63  }
0xfd: {  	_ =	swait.ge [sflag:s11], $0x80  }
0xfe: {  	s9 =	sadd.s32 s29, s24;
	[sflag:s11] =	ssyncset.done $0x0  }
0xff: {  	s3 =	sadd.s32 $0x4F0, s9;
	[sflag:s11] =	ssyncadd.s32 $0xFFFFFF80  }
0x100: {  	[tilespmem:s18], [sflag:$0x3] =	stream.linear.gather [hbm4b:s3+s2], $0x80, $0x38;
	[tilespmem:$0x1F280] =	vst v63  }
0x101: {  	_ =	swait.ge [sflag:s11], $0x80  }
0x102: {  	[sflag:s11] =	ssyncset.done $0x0  }
0x103: {  	[sflag:s11] =	ssyncadd.s32 $0xFFFFFF80  }
0x104: {  	[tilespmem:s19], [sflag:$0x2] =	stream.indirect.gather [hbm4b:s4+s17], $0x80, s17, s17, $0xb8;
	[tilespmem:$0x1F280] =	vst v63  }
0x105: {  	_ =	swait.ge [sflag:s20], $0x4000  }
0x106: {  	[sflag:s20] =	ssyncset.done $0x0  }
0x107: {  	[sflag:s20] =	ssyncadd.s32 $0xFFFFC000  }
0x108: {  	[spmem:s1] =	stream.indirect.scatter.add.f32 [tilespmem:s15], [sflag:$0x3], $0x80, s16, s17, $0xb8;
	[tilespmem:$0x1F280] =	vst v63  }
0x109: {  	_ =	swait.ge [sflag:s11], $0x4000  }
0x10a: {  	[sflag:s11] =	ssyncset.done $0x0  }
0x10b: {  	s29 =	sadd.s32 $0x500, s31;
	[sflag:s11] =	ssyncadd.s32 $0xFFFFC000  }
0x10c: {  	[tilespmem:s2], [sflag:$0x3] =	stream.linear.gather [hbm4b:s29+s2], $0x80, $0x38;
	[tilespmem:$0x1F280] =	vst v63  }
0x10d: {  	_ =	swait.ge [sflag:s11], $0x80  }
0x10e: {  	[sflag:s11] =	ssyncset.done $0x0  }
0x10f: {  	s0 =	sadd.s32 $0x500, s9;
	[sflag:s11] =	ssyncadd.s32 $0xFFFFFF80  }
0x110: {  	[tilespmem:s16], [sflag:$0x3] =	stream.linear.gather [hbm4b:s0+s2], $0x80, $0x38;
	[tilespmem:$0x1F280] =	vst v63  }
0x111: {  	_ =	swait.ge [sflag:s11], $0x80  }
0x112: {  	[sflag:s11] =	ssyncset.done $0x0  }
0x113: {  	[sflag:s11] =	ssyncadd.s32 $0xFFFFFF80  }
0x114: {  	[tilespmem:s15], [sflag:$0x1] =	stream.indirect.gather [hbm4b:s4+s17], $0x80, s2, s17, $0xb8;
	[tilespmem:$0x1F280] =	vst v63  }
0x115: {  	_ =	swait.ge [sflag:s26], $0x4000  }
0x116: {  	[sflag:s26] =	ssyncset.done $0x0  }
0x117: {  	[sflag:s26] =	ssyncadd.s32 $0xFFFFC000  }
0x118: {  	[spmem:s1] =	stream.indirect.scatter.add.f32 [tilespmem:s19], [sflag:$0x3], $0x80, s18, s17, $0xb8;
	[tilespmem:$0x1F280] =	vst v63  }
0x119: {  	_ =	swait.ge [sflag:s11], $0x4000  }
0x11a: {  	[sflag:s11] =	ssyncset.done $0x0  }
0x11b: {  	s30 =	rddreg [dreg:$0xf];
	[sflag:s11] =	ssyncadd.s32 $0xFFFFC000  }
0x11c: {  	[tilespmem:s17], [sflag:$0x3] =	stream.linear.gather [hbm4b:s30+s2], $0x80, $0x38;
	[tilespmem:$0x1F280] =	vst v63  }
0x11d: {  	_ =	swait.ge [sflag:s11], $0x80  }
0x11e: {  	[sflag:s11] =	ssyncset.done $0x0  }
0x11f: {  	s31 =	rddreg [dreg:$0x10];
	[sflag:s11] =	ssyncadd.s32 $0xFFFFFF80  }
0x120: {  	[tilespmem:s18], [sflag:$0x3] =	stream.linear.gather [hbm4b:s31+s2], $0x80, $0x38;
	[tilespmem:$0x1F280] =	vst v63  }
0x121: {  	_ =	swait.ge [sflag:s11], $0x80  }
0x122: {  	[sflag:s11] =	ssyncset.done $0x0  }
0x123: {  	[sflag:s11] =	ssyncadd.s32 $0xFFFFFF80  }
0x124: {  	[tilespmem:s19], [sflag:$0x2] =	stream.indirect.gather [hbm4b:s4+s17], $0x80, s17, s17, $0xb8;
	[tilespmem:$0x1F280] =	vst v63  }
0x125: {  	_ =	swait.ge [sflag:s20], $0x4000  }
0x126: {  	[sflag:s20] =	ssyncset.done $0x0  }
0x127: {  	[sflag:s20] =	ssyncadd.s32 $0xFFFFC000  }
0x128: {  	[spmem:s1] =	stream.indirect.scatter.add.f32 [tilespmem:s15], [sflag:$0x3], $0x80, s16, s17, $0xb8;
	[tilespmem:$0x1F280] =	vst v63  }
0x129: {  	_ =	swait.ge [sflag:s11], $0x4000  }
0x12a: {  	[sflag:s11] =	ssyncset.done $0x0  }
0x12b: {  	[sflag:s11] =	ssyncadd.s32 $0xFFFFC000  }
0x12c: {  	_ =	swait.ge [sflag:s26], $0x4000  }
0x12d: {  	[sflag:s26] =	ssyncset.done $0x0  }
0x12e: {  	[sflag:s26] =	ssyncadd.s32 $0xFFFFC000  }
0x12f: {  	[spmem:s1] =	stream.indirect.scatter.add.f32 [tilespmem:s19], [sflag:$0x3], $0x80, s18, s17, $0xb8;
	[tilespmem:$0x1F280] =	vst v63  }
0x130: {  	_ =	swait.ge [sflag:s11], $0x4000  }
0x131: {  	[sflag:s11] =	ssyncset.done $0x0  }
0x132: {  	[sflag:s11] =	ssyncadd.s32 $0xFFFFC000  }
.LBB2_13:
0x133: {  	[bflag:$0x0] =	sbarrier.arrive $0xFFFF  }
0x134: {  	[tilespmem:s22], [sflag:$0x3] =	stream.linear.gather [spmem:s8], $0x1000, $0x38;
	[tilespmem:$0x1F280] =	vst v63  }
0x135: {  	_ =	swait.ge [sflag:s11], $0x1000  }
0x136: {  	[sflag:s11] =	ssyncset.done $0x0  }
0x137: {  	s0 =	sadd.s32 $0x0, s25;
	[sflag:s11] =	ssyncadd.s32 $0xFFFFF000  }
0x138: {  	[hbm4b:s0+s2] =	stream.linear.scatter [tilespmem:s22], [sflag:$0x3], $0x1000, $0x38;
	[tilespmem:$0x1F280] =	vst v63  }
0x139: {  	_ =	swait.ge [sflag:s11], $0x1000  }
0x13a: {  	s29 =	simm.s32 $0x200;
	s30 =	smov.u32 s8;
	[sflag:s11] =	ssyncset.done $0x0  }
.LBB2_14:
0x13b: {  	p1 =	sne.s32 s29, $0x2600;
	[sflag:s11] =	ssyncadd.s32 $0xFFFFF000;
	s30 =	sadd.s32 $0x1000, s30  }
0x13c: {  	[tilespmem:s22], [sflag:$0x3] =	stream.linear.gather [spmem:s30], $0x1000, $0x38;
	[tilespmem:$0x1F280] =	vst v63  }
0x13d: {  	s0 =	smov.u32 s29;
	s29 =	sadd.s32 $0x200, s29;
	_ =	swait.ge [sflag:s11], $0x1000  }
.Ltmp7:
0x13e: {  	[sflag:s11] =	ssyncset.done $0x0;
	(pc) =	sbr.rel @p1 .LBB2_14-.Ltmp7, $4  }
0x13f: {  	s0 =	sadd.s32 s0, s25;
	[sflag:s11] =	ssyncadd.s32 $0xFFFFF000  }
0x140: {  	[hbm4b:s0+s2] =	stream.linear.scatter [tilespmem:s22], [sflag:$0x3], $0x1000, $0x38;
	[tilespmem:$0x1F280] =	vst v63  }
0x141: {  	_ =	swait.ge [sflag:s11], $0x1000  }
0x142: {  	[sflag:s11] =	ssyncset.done $0x0  }
0x143: {  	s28 =	sadd.s32 $0x1, s28;
	s0 =	rddreg [dreg:$0x5]  }
0x144: {  	p1 =	sne.s32 s28, s0  }
.Ltmp8:
0x145: {  	_ = 	snop;
	(pc) =	sbr.rel @p1 .LBB2_1-.Ltmp8, $2  }
0x146: {  	_ =	sdelay $0x2  }
0x147: {  	[sflag:s11] =	ssyncadd.s32 $0xFFFFF000  }
0x148: {  	_ =	sfence.sel $0x180000  }
0x149: {  	[bflag:$0x0] =	sbarrier.arrive $0xFFFF  }
0x14a: {  	_ =	strace $0x90000047  }
0x14b: {  	s0 =	stileid.u32;
	[bflag:$0x2] =	sbarrier.arrive $0xFFFF  }
0x14c: {  	p0 =	sne.s32 s0, $0x0;
	s0 =	rddreg [dreg:$0x2]  }
0x14d: {  	s0 =	sadd.s32 @!p0 $0x100000, s0  }
0x14e: {  	[sflag:s0] =	ssyncadd.tile.s32 @!p0 $0x1;
	_ =	shalt  }
.Lfunc_end2:
_tile_overlayer_lowered:
.L_overlay_start_2:
0x14f: {  	(tag) =	ssettag $0x2  }
0x150: {  	s0 =	rddreg [dreg:$0x0];
	s2 =	stileid.u32  }
0x151: {  	s1 =	rddreg [dreg:$0x1];
	p0 =	sne.s32 s2, $0x0  }
0x152: {  	s3 =	rddreg [dreg:$0x2];
	[bflag:$0x3] =	sbarrier.arrive $0xFFFF;
	s2 =	simm.s32 @!p0 $0x1C03  }
0x153: {  	[timem:s3], [sflag:s2] =	dma.local @!p0 [hbm:s0], s1  }
0x154: {  	s0 =	simm.s32 @!p0 $0x3  }
0x155: {  	_ =	swait.ge @!p0 [sflag:s0], s1  }
0x156: {  	s1 =	ssub.s32 @!p0 $0x0, s1;
	[sflag:s0] =	ssyncset.done @!p0 $0x0  }
0x157: {  	[sflag:s0] =	ssyncadd.s32 @!p0 s1  }
0x158: {  	[bflag:$0x3] =	sbarrier.arrive $0xFFFF  }
0x159: {  	_ =	shalt  }

</sc_bundles>
